<compile_context>
chip_gen: v7x
topology: tpu7x:2x2x1
jax: 0.10.2.dev20260603
libtpu: 0.0.44.dev20260713+nightly
codegen_flags: <defaults>
</compile_context>

<pallas_src>
import functools

import jax
import jax.numpy as jnp
from jax import lax
from jax.experimental import pallas as pl
from jax.experimental.pallas import tpu as pltpu
from jax.experimental.pallas import tpu_sc as plsc

_HIGH = lax.Precision.HIGHEST
_N = 64
_NS = 16
_CBINS = _N * _N
_PBINS = 32 * 256
_TOT = _CBINS + 2 * _PBINS
_SLICE = _TOT // _NS
_EPW = 2048 // _NS
_PPW = 512 // _NS


@functools.lru_cache(maxsize=1)
def _get_sc_counts():
    mesh = plsc.VectorSubcoreMesh(core_axis_name="c", subcore_axis_name="s",
                                  num_cores=1, num_subcores=_NS)
    return functools.partial(
        pl.kernel,
        out_type=jax.ShapeDtypeStruct((_TOT,), jnp.float32),
        mesh=mesh,
        scratch_types=[
            pltpu.VMEM((_EPW,), jnp.int32),
            pltpu.VMEM((_EPW,), jnp.int32),
            pltpu.VMEM((_PPW,), jnp.int32),
            pltpu.VMEM((_PPW,), jnp.int32),
            pltpu.VMEM((_PPW,), jnp.int32),
            pltpu.VMEM((_PPW,), jnp.int32),
            pltpu.VMEM((_EPW,), jnp.int32),
            pltpu.VMEM((2 * _PPW,), jnp.int32),
            pltpu.VMEM((_EPW,), jnp.float32),
            pltpu.MemorySpace.VMEM_SHARED((_TOT,), jnp.float32),
        ] + [pltpu.SemaphoreType.DMA] * 8,
    )(_sc_body)


def _sc_body(src_hbm, dst_hbm, pa_hbm, pb_hbm, na_hbm, nb_hbm,
             zeros_hbm, ones_hbm, out_hbm,
             src_v, dst_v, pav, pbv, nav, nbv, idx_e, idx_p, ones_v, S,
             z_sem, s_sem, d_sem, o_sem, pa_sem, pb_sem, na_sem, nb_sem):
    s = lax.axis_index("s")
    wid = s

    zc = pltpu.async_copy(zeros_hbm.at[pl.ds(s * _SLICE, _SLICE)],
                          S.at[pl.ds(s * _SLICE, _SLICE)], z_sem)
    sc_ = pltpu.async_copy(src_hbm.at[pl.ds(wid * _EPW, _EPW)], src_v, s_sem)
    dc = pltpu.async_copy(dst_hbm.at[pl.ds(wid * _EPW, _EPW)], dst_v, d_sem)
    oc = pltpu.async_copy(ones_hbm, ones_v, o_sem)
    pac = pltpu.async_copy(pa_hbm.at[pl.ds(wid * _PPW, _PPW)], pav, pa_sem)
    pbc = pltpu.async_copy(pb_hbm.at[pl.ds(wid * _PPW, _PPW)], pbv, pb_sem)
    nac = pltpu.async_copy(na_hbm.at[pl.ds(wid * _PPW, _PPW)], nav, na_sem)
    nbc = pltpu.async_copy(nb_hbm.at[pl.ds(wid * _PPW, _PPW)], nbv, nb_sem)

    sc_.wait()
    dc.wait()
    for ch in range(_EPW // 16):
        d = dst_v[pl.ds(ch * 16, 16)]
        sv = src_v[pl.ds(ch * 16, 16)]
        idx_e[pl.ds(ch * 16, 16)] = ((d & 31) << 7) + ((d >> 5) << 6) + sv

    lane = lax.iota(jnp.int32, 16)
    g = wid // 2
    pac.wait()
    pbc.wait()
    nac.wait()
    nbc.wait()
    for half in range(2):
        k = (wid % 2) * 32 + half * 16 + lane
        for base, va, vb in ((_CBINS, pav, pbv), (_CBINS + _PBINS, nav, nbv)):
            a = va[pl.ds(half * 16, 16)]
            b = vb[pl.ds(half * 16, 16)]
            m = a * 8 + g
            t = base + (b << 11) + ((m & 15) << 7) + ((m >> 4) << 6) + k
            off = (0 if base == _CBINS else _PPW) + half * 16
            idx_p[pl.ds(off, 16)] = t

    zc.wait()
    oc.wait()
    plsc.subcore_barrier()
    pltpu.sync_copy(ones_v, S.at[idx_e], add=True)
    pltpu.sync_copy(ones_v.at[pl.ds(0, 2 * _PPW)], S.at[idx_p], add=True)
    plsc.subcore_barrier()

    pltpu.sync_copy(S.at[pl.ds(s * _SLICE, _SLICE)],
                    out_hbm.at[pl.ds(s * _SLICE, _SLICE)])


def _dotT(a, b):
    return lax.dot_general(a, b, (((1,), (1,)), ((), ())),
                           preferred_element_type=jnp.float32,
                           precision=_HIGH)


def _tc_body(x_ref, cnt_ref,
             W0_ref, W1_ref, W2_ref, W3_ref,
             b0_ref, b1_ref, b2_ref, b3_ref,
             W2d_ref, bp_ref, out_ref,
             w1_v, w2_v, w3_v, sem1, sem2, sem3):
    cp1 = pltpu.make_async_copy(W1_ref, w1_v, sem1)
    cp2 = pltpu.make_async_copy(W2_ref, w2_v, sem2)
    cp3 = pltpu.make_async_copy(W3_ref, w3_v, sem3)
    cp1.start()
    cp2.start()
    cp3.start()

    def unlace(X):
        return jnp.concatenate([X[:, 0:64], X[:, 64:128]], axis=0)

    cnt = cnt_ref[...]
    C = unlace(cnt[0:32, :])
    deg = jnp.sum(C, axis=1, keepdims=True) + 1.0
    dinv = lax.rsqrt(deg)
    r = lax.broadcasted_iota(jnp.int32, (_N, _N), 0)
    cc = lax.broadcasted_iota(jnp.int32, (_N, _N), 1)
    eye = (r == cc).astype(jnp.float32)
    A = (C + eye) * dinv * jnp.transpose(dinv)

    h = x_ref[...]
    zs = []
    for W_ref, b_ref, cp in ((W0_ref, b0_ref, None), (w1_v, b1_ref, cp1),
                             (w2_v, b2_ref, cp2), (w3_v, b3_ref, cp3)):
        if cp is not None:
            cp.wait()
        hw = jnp.dot(h, W_ref[...], precision=_HIGH)
        h = jnp.maximum(jnp.dot(A, hw, precision=_HIGH) + b_ref[...], 0.0)
        zs.append(h)

    W2d = W2d_ref[...]
    W2db = W2d.astype(jnp.bfloat16).astype(jnp.float32)
    zb = [z.astype(jnp.bfloat16) for z in zs]
    D = [[lax.dot_general(zb[a], zb[b], (((1,), (1,)), ((), ())),
                          preferred_element_type=jnp.float32)
          for b in range(4)] for a in range(4)]

    def lp_V(row0):
        V = jnp.zeros((8, _N), jnp.float32)
        for b in range(4):
            O3b = unlace(cnt[row0 + b * 16:row0 + (b + 1) * 16, :])
            WSb = jnp.dot(O3b, W2db, precision=_HIGH)
            for a in range(4):
                V = V + _dotT(WSb[a * 8:(a + 1) * 8, :], D[a][b])
        return V

    bp0 = bp_ref[0, 0]
    Lp = lp_V(32) + bp0
    Ln = lp_V(96) + bp0
    sp_p = jnp.maximum(Lp, 0.0) + jnp.log1p(jnp.exp(-jnp.abs(Lp)))
    sp_n = jnp.maximum(Ln, 0.0) + jnp.log1p(jnp.exp(-jnp.abs(Ln)))
    total = (jnp.sum(sp_p) + jnp.sum(sp_n) - Ln[0, 0]) / 1024.0
    out_ref[...] = jnp.broadcast_to(total, (1, 1))


def _tc_call(cnt, x, W0, b0, W1, b1, W2, b2, W3, b3, Wp, bp):
    nspec = pl.BlockSpec(memory_space=pltpu.MemorySpace.HBM)
    vspec = pl.BlockSpec(memory_space=pltpu.MemorySpace.VMEM)
    out = pl.pallas_call(
        _tc_body,
        out_shape=jax.ShapeDtypeStruct((1, 1), jnp.float32),
        in_specs=[vspec, vspec,
                  vspec, nspec, nspec, nspec,
                  vspec, vspec, vspec, vspec,
                  vspec, vspec],
        scratch_shapes=[
            pltpu.VMEM((1024, 1024), jnp.float32),
            pltpu.VMEM((1024, 1024), jnp.float32),
            pltpu.VMEM((1024, 1024), jnp.float32),
            pltpu.SemaphoreType.DMA,
            pltpu.SemaphoreType.DMA,
            pltpu.SemaphoreType.DMA,
        ],
    )(x, cnt,
      W0, W1, W2, W3,
      b0.reshape(1, -1), b1.reshape(1, -1),
      b2.reshape(1, -1), b3.reshape(1, -1),
      Wp.reshape(_N, _N), bp.reshape(1, 1))
    return out[0, 0]


@jax.jit
def kernel(x, ei, pos, neg, W0, b0, W1, b1, W2, b2, W3, b3, Wp, bp):
    zeros = jnp.zeros((_TOT,), jnp.float32)
    ones = jnp.ones((_EPW,), jnp.float32)
    cnt = _get_sc_counts()(ei[0], ei[1], pos[0], pos[1], neg[0], neg[1],
                           zeros, ones)
    return _tc_call(cnt.reshape(160, 128), x,
                    W0, b0, W1, b1, W2, b2, W3, b3, Wp, bp)

# --- scband reference (transcript-rebuilt; emitter-appended) ---
"""Pipeline reference for scband-catted-layer-lp-45500883534614 (READ-ONLY COPY).

The authoritative reference and input builder live on the scoring server;
editing this copy changes nothing except your own understanding.
"""

import jax, jax.numpy as jnp
import numpy as np

N_NODES = 64
IN_DIM = 512
HID = 1024
LAYERS = 4
N_EDGES = 2048
N_POS = 512
N_NEG = 512


def setup_inputs(seed: int = 0) -> dict:
    key = jax.random.key(seed)
    ks = jax.random.split(key, 16)
    x = jax.random.normal(ks[0], (N_NODES, IN_DIM), dtype=jnp.float32)
    ei = jax.random.randint(ks[1], (2, N_EDGES), 0, N_NODES, dtype=jnp.int32)
    pos = jax.random.randint(ks[2], (2, N_POS), 0, LAYERS, dtype=jnp.int32)
    neg = jax.random.randint(ks[3], (2, N_NEG), 0, LAYERS, dtype=jnp.int32)
    W0 = jax.random.normal(ks[4], (IN_DIM, HID), dtype=jnp.float32) * 0.05
    b0 = jnp.zeros((HID,), dtype=jnp.float32)
    W1 = jax.random.normal(ks[5], (HID, HID), dtype=jnp.float32) * 0.05
    b1 = jnp.zeros((HID,), dtype=jnp.float32)
    W2 = jax.random.normal(ks[6], (HID, HID), dtype=jnp.float32) * 0.05
    b2 = jnp.zeros((HID,), dtype=jnp.float32)
    W3 = jax.random.normal(ks[7], (HID, HID), dtype=jnp.float32) * 0.05
    b3 = jnp.zeros((HID,), dtype=jnp.float32)
    Wp = jax.random.normal(ks[8], (HID * LAYERS, 1), dtype=jnp.float32) * 0.05
    bp = jnp.zeros((1,), dtype=jnp.float32)
    return {"x": x, "ei": ei, "pos": pos, "neg": neg,
            "W0": W0, "b0": b0, "W1": W1, "b1": b1,
            "W2": W2, "b2": b2, "W3": W3, "b3": b3,
            "Wp": Wp, "bp": bp}


def _gcn_conv(x, ei, W, b):
    # Faithful PyG GCNConv: add self-loops, symmetric normalization, x@W, scatter-add to dst, + bias
    n = x.shape[0]
    loops = jnp.arange(n, dtype=ei.dtype)
    src = jnp.concatenate([ei[0], loops])
    dst = jnp.concatenate([ei[1], loops])
    deg = jnp.zeros((n,), dtype=x.dtype).at[dst].add(1.0)
    dinv = jnp.where(deg > 0, 1.0 / jnp.sqrt(deg), 0.0)
    norm = dinv[src] * dinv[dst]
    h = x @ W
    out = jnp.zeros((n, W.shape[1]), dtype=x.dtype).at[dst].add(h[src] * norm[:, None])
    return out + b


def _lp(zs, e, Wp, bp):
    # Faithful to the original (including indexing zs on dim 0 with edge rows)
    dot = jnp.matmul(zs[e[0]], jnp.swapaxes(zs[e[1]], 1, 2))  # [E, N, N]
    emb = jnp.swapaxes(dot, 0, 1)  # [N, E, N]
    emb = emb.reshape(dot.shape[0], dot.shape[1] * dot.shape[2])  # [E, N*N]
    return emb @ Wp + bp


def _bce_with_logits(logits, targets):
    return jnp.mean(jnp.clip(logits, 0.0, None) - logits * targets + jnp.log1p(jnp.exp(-jnp.abs(logits))))


def reference(x, ei, pos, neg, W0, b0, W1, b1, W2, b2, W3, b3, Wp, bp):
    h = x
    embs = []
    for W, b in ((W0, b0), (W1, b1), (W2, b2), (W3, b3)):
        h = jax.nn.relu(_gcn_conv(h, ei, W, b))
        embs.append(h)
    zs = jnp.stack(embs, axis=0)  # [LAYERS, N, HID]
    pos_pred = _lp(zs, pos, Wp, bp)
    neg_pred = _lp(zs, neg, Wp, bp)
    P = pos_pred.shape[0]
    targets = jnp.zeros((P + neg_pred.shape[0], 1), dtype=pos_pred.dtype).at[P].set(1.0)
    logits = jnp.concatenate([pos_pred, neg_pred], axis=0)
    return _bce_with_logits(logits, targets)

if __name__ == "__main__":
    import jax
    _d = setup_inputs()
    print(jax.jit(kernel)(*tuple(_d.values())))

</pallas_src>

<mosaic_0001>
#map = affine_map<(d0, d1) -> (0)>
module attributes {stable_mosaic.version = 14 : i64} {
  func.func @_sc_body(%arg0: i32, %arg1: i32, %arg2: memref<2048xi32, #tpu.memory_space<hbm>>, %arg3: memref<2048xi32, #tpu.memory_space<hbm>>, %arg4: memref<512xi32, #tpu.memory_space<hbm>>, %arg5: memref<512xi32, #tpu.memory_space<hbm>>, %arg6: memref<512xi32, #tpu.memory_space<hbm>>, %arg7: memref<512xi32, #tpu.memory_space<hbm>>, %arg8: memref<20480xf32, #tpu.memory_space<hbm>>, %arg9: memref<128xf32, #tpu.memory_space<hbm>>, %arg10: memref<20480xf32, #tpu.memory_space<hbm>>, %arg11: memref<128xi32, #tpu.memory_space<vmem>>, %arg12: memref<128xi32, #tpu.memory_space<vmem>>, %arg13: memref<32xi32, #tpu.memory_space<vmem>>, %arg14: memref<32xi32, #tpu.memory_space<vmem>>, %arg15: memref<32xi32, #tpu.memory_space<vmem>>, %arg16: memref<32xi32, #tpu.memory_space<vmem>>, %arg17: memref<128xi32, #tpu.memory_space<vmem>>, %arg18: memref<64xi32, #tpu.memory_space<vmem>>, %arg19: memref<128xf32, #tpu.memory_space<vmem>>, %arg20: memref<20480xf32, #tpu.memory_space<vmem_shared>>, %arg21: memref<!tpu.dma_semaphore, #tpu.memory_space<semaphore_mem>>, %arg22: memref<!tpu.dma_semaphore, #tpu.memory_space<semaphore_mem>>, %arg23: memref<!tpu.dma_semaphore, #tpu.memory_space<semaphore_mem>>, %arg24: memref<!tpu.dma_semaphore, #tpu.memory_space<semaphore_mem>>, %arg25: memref<!tpu.dma_semaphore, #tpu.memory_space<semaphore_mem>>, %arg26: memref<!tpu.dma_semaphore, #tpu.memory_space<semaphore_mem>>, %arg27: memref<!tpu.dma_semaphore, #tpu.memory_space<semaphore_mem>>, %arg28: memref<!tpu.dma_semaphore, #tpu.memory_space<semaphore_mem>>) attributes {dimension_semantics = [#tpu.dimension_semantics<core_parallel>, #tpu.dimension_semantics<subcore_parallel>], iteration_bounds = array<i64: 1, 16>, scalar_prefetch = 0 : i64, scratch_operands = 18 : i64, tpu.core_type = #tpu.core_type<sc_vector_subcore>, window_params = [{transform_indices = #map}, {transform_indices = #map}, {transform_indices = #map}, {transform_indices = #map}, {transform_indices = #map}, {transform_indices = #map}, {transform_indices = #map}, {transform_indices = #map}, {transform_indices = #map}]} {
    %mul3A = arith.constant 1280 : i32
    %mul3A_0 = arith.muli %arg1, %mul3A : i32
    %mul3A_1 = arith.constant 1280 : i32
    %mul3A_2 = arith.muli %arg1, %mul3A_1 : i32
    %dma_start3A = tpu.memref_slice %arg20[%mul3A_2] : memref<20480xf32, #tpu.memory_space<vmem_shared>> -> memref<1280xf32, #tpu.memory_space<vmem_shared>>
    %dma_start3A_3 = tpu.memref_slice %arg8[%mul3A_0] : memref<20480xf32, #tpu.memory_space<hbm>> -> memref<1280xf32, #tpu.memory_space<hbm>>
    tpu.enqueue_dma source(%dma_start3A_3 : memref<1280xf32, #tpu.memory_space<hbm>>) target(%dma_start3A : memref<1280xf32, #tpu.memory_space<vmem_shared>>) target_semaphore(%arg21 : memref<!tpu.dma_semaphore, #tpu.memory_space<semaphore_mem>>)
    %mul3A_4 = arith.constant 128 : i32
    %mul3A_5 = arith.muli %arg1, %mul3A_4 : i32
    %dma_start3A_6 = tpu.memref_slice %arg2[%mul3A_5] : memref<2048xi32, #tpu.memory_space<hbm>> -> memref<128xi32, #tpu.memory_space<hbm>>
    %dma_start3A_7 = tpu.memref_slice %arg2[%mul3A_5] : memref<2048xi32, #tpu.memory_space<hbm>> -> memref<128xi32, #tpu.memory_space<hbm>>
    tpu.enqueue_dma source(%dma_start3A_7 : memref<128xi32, #tpu.memory_space<hbm>>) target(%arg11 : memref<128xi32, #tpu.memory_space<vmem>>) target_semaphore(%arg22 : memref<!tpu.dma_semaphore, #tpu.memory_space<semaphore_mem>>)
    %mul3A_8 = arith.constant 128 : i32
    %mul3A_9 = arith.muli %arg1, %mul3A_8 : i32
    %dma_start3A_10 = tpu.memref_slice %arg3[%mul3A_9] : memref<2048xi32, #tpu.memory_space<hbm>> -> memref<128xi32, #tpu.memory_space<hbm>>
    %dma_start3A_11 = tpu.memref_slice %arg3[%mul3A_9] : memref<2048xi32, #tpu.memory_space<hbm>> -> memref<128xi32, #tpu.memory_space<hbm>>
    tpu.enqueue_dma source(%dma_start3A_11 : memref<128xi32, #tpu.memory_space<hbm>>) target(%arg12 : memref<128xi32, #tpu.memory_space<vmem>>) target_semaphore(%arg23 : memref<!tpu.dma_semaphore, #tpu.memory_space<semaphore_mem>>)
    tpu.enqueue_dma source(%arg9 : memref<128xf32, #tpu.memory_space<hbm>>) target(%arg19 : memref<128xf32, #tpu.memory_space<vmem>>) target_semaphore(%arg24 : memref<!tpu.dma_semaphore, #tpu.memory_space<semaphore_mem>>)
    %mul3A_12 = arith.constant 32 : i32
    %mul3A_13 = arith.muli %arg1, %mul3A_12 : i32
    %dma_start3A_14 = tpu.memref_slice %arg4[%mul3A_13] : memref<512xi32, #tpu.memory_space<hbm>> -> memref<32xi32, #tpu.memory_space<hbm>>
    %dma_start3A_15 = tpu.memref_slice %arg4[%mul3A_13] : memref<512xi32, #tpu.memory_space<hbm>> -> memref<32xi32, #tpu.memory_space<hbm>>
    tpu.enqueue_dma source(%dma_start3A_15 : memref<32xi32, #tpu.memory_space<hbm>>) target(%arg13 : memref<32xi32, #tpu.memory_space<vmem>>) target_semaphore(%arg25 : memref<!tpu.dma_semaphore, #tpu.memory_space<semaphore_mem>>)
    %mul3A_16 = arith.constant 32 : i32
    %mul3A_17 = arith.muli %arg1, %mul3A_16 : i32
    %dma_start3A_18 = tpu.memref_slice %arg5[%mul3A_17] : memref<512xi32, #tpu.memory_space<hbm>> -> memref<32xi32, #tpu.memory_space<hbm>>
    %dma_start3A_19 = tpu.memref_slice %arg5[%mul3A_17] : memref<512xi32, #tpu.memory_space<hbm>> -> memref<32xi32, #tpu.memory_space<hbm>>
    tpu.enqueue_dma source(%dma_start3A_19 : memref<32xi32, #tpu.memory_space<hbm>>) target(%arg14 : memref<32xi32, #tpu.memory_space<vmem>>) target_semaphore(%arg26 : memref<!tpu.dma_semaphore, #tpu.memory_space<semaphore_mem>>)
    %mul3A_20 = arith.constant 32 : i32
    %mul3A_21 = arith.muli %arg1, %mul3A_20 : i32
    %dma_start3A_22 = tpu.memref_slice %arg6[%mul3A_21] : memref<512xi32, #tpu.memory_space<hbm>> -> memref<32xi32, #tpu.memory_space<hbm>>
    %dma_start3A_23 = tpu.memref_slice %arg6[%mul3A_21] : memref<512xi32, #tpu.memory_space<hbm>> -> memref<32xi32, #tpu.memory_space<hbm>>
    tpu.enqueue_dma source(%dma_start3A_23 : memref<32xi32, #tpu.memory_space<hbm>>) target(%arg15 : memref<32xi32, #tpu.memory_space<vmem>>) target_semaphore(%arg27 : memref<!tpu.dma_semaphore, #tpu.memory_space<semaphore_mem>>)
    %mul3A_24 = arith.constant 32 : i32
    %mul3A_25 = arith.muli %arg1, %mul3A_24 : i32
    %dma_start3A_26 = tpu.memref_slice %arg7[%mul3A_25] : memref<512xi32, #tpu.memory_space<hbm>> -> memref<32xi32, #tpu.memory_space<hbm>>
    %dma_start3A_27 = tpu.memref_slice %arg7[%mul3A_25] : memref<512xi32, #tpu.memory_space<hbm>> -> memref<32xi32, #tpu.memory_space<hbm>>
    tpu.enqueue_dma source(%dma_start3A_27 : memref<32xi32, #tpu.memory_space<hbm>>) target(%arg16 : memref<32xi32, #tpu.memory_space<vmem>>) target_semaphore(%arg28 : memref<!tpu.dma_semaphore, #tpu.memory_space<semaphore_mem>>)
    %dma_wait3A = tpu.memref_slice %arg2[%mul3A_5] : memref<2048xi32, #tpu.memory_space<hbm>> -> memref<128xi32, #tpu.memory_space<hbm>>
    %dma_wait3A_28 = tpu.memref_slice %arg2[%mul3A_5] : memref<2048xi32, #tpu.memory_space<hbm>> -> memref<128xi32, #tpu.memory_space<hbm>>
    tpu.wait_dma2 semaphore(%arg22 : memref<!tpu.dma_semaphore, #tpu.memory_space<semaphore_mem>>) src(%dma_wait3A_28 : memref<128xi32, #tpu.memory_space<hbm>>) dst(%arg11 : memref<128xi32, #tpu.memory_space<vmem>>)
    %dma_wait3A_29 = tpu.memref_slice %arg3[%mul3A_9] : memref<2048xi32, #tpu.memory_space<hbm>> -> memref<128xi32, #tpu.memory_space<hbm>>
    %dma_wait3A_30 = tpu.memref_slice %arg3[%mul3A_9] : memref<2048xi32, #tpu.memory_space<hbm>> -> memref<128xi32, #tpu.memory_space<hbm>>
    tpu.wait_dma2 semaphore(%arg23 : memref<!tpu.dma_semaphore, #tpu.memory_space<semaphore_mem>>) src(%dma_wait3A_30 : memref<128xi32, #tpu.memory_space<hbm>>) dst(%arg12 : memref<128xi32, #tpu.memory_space<vmem>>)
    %get3A = arith.constant 0 : index
    %get3A_31 = tpu.vector_load %arg12[%get3A] {strides = array<i32>} : memref<128xi32, #tpu.memory_space<vmem>>, vector<16xi32>,
    %get3A_32 = vector.shape_cast %get3A_31 : vector<16xi32> to vector<16xi32>
    %get3A_33 = arith.constant 0 : index
    %get3A_34 = tpu.vector_load %arg11[%get3A_33] {strides = array<i32>} : memref<128xi32, #tpu.memory_space<vmem>>, vector<16xi32>,
    %get3A_35 = vector.shape_cast %get3A_34 : vector<16xi32> to vector<16xi32>
    %and3A = arith.constant 31 : i32
    %and3A_36 = vector.broadcast %and3A : i32 to vector<16xi32>
    %and3A_37 = arith.andi %get3A_32, %and3A_36 : vector<16xi32>
    %shift_left3A = arith.constant 7 : i32
    %shift_left3A_38 = vector.broadcast %shift_left3A : i32 to vector<16xi32>
    %shift_left3A_39 = arith.shli %and3A_37, %shift_left3A_38 : vector<16xi32>
    %shift_right_arithmetic3A = arith.constant 5 : i32
    %shift_right_arithmetic3A_40 = vector.broadcast %shift_right_arithmetic3A : i32 to vector<16xi32>
    %shift_right_arithmetic3A_41 = arith.shrsi %get3A_32, %shift_right_arithmetic3A_40 : vector<16xi32>
    %shift_left3A_42 = arith.constant 6 : i32
    %shift_left3A_43 = vector.broadcast %shift_left3A_42 : i32 to vector<16xi32>
    %shift_left3A_44 = arith.shli %shift_right_arithmetic3A_41, %shift_left3A_43 : vector<16xi32>
    %add3A = arith.addi %shift_left3A_39, %shift_left3A_44 : vector<16xi32>
    %add3A_45 = arith.addi %add3A, %get3A_35 : vector<16xi32>
    %swap3A = arith.constant 0 : index
    %swap3A_46 = tpu.vector_load %arg17[%swap3A] {strides = array<i32>} : memref<128xi32, #tpu.memory_space<vmem>>, vector<16xi32>,
    %swap3A_47 = vector.shape_cast %swap3A_46 : vector<16xi32> to vector<16xi32>
    %swap3A_48 = vector.shape_cast %add3A_45 : vector<16xi32> to vector<16xi32>
    tpu.vector_store %arg17[%swap3A], %swap3A_48 {strides = array<i32>} : memref<128xi32, #tpu.memory_space<vmem>>, vector<16xi32>,
    %get3A_49 = arith.constant 16 : index
    %get3A_50 = tpu.vector_load %arg12[%get3A_49] {strides = array<i32>} : memref<128xi32, #tpu.memory_space<vmem>>, vector<16xi32>,
    %get3A_51 = vector.shape_cast %get3A_50 : vector<16xi32> to vector<16xi32>
    %get3A_52 = arith.constant 16 : index
    %get3A_53 = tpu.vector_load %arg11[%get3A_52] {strides = array<i32>} : memref<128xi32, #tpu.memory_space<vmem>>, vector<16xi32>,
    %get3A_54 = vector.shape_cast %get3A_53 : vector<16xi32> to vector<16xi32>
    %and3A_55 = arith.constant 31 : i32
    %and3A_56 = vector.broadcast %and3A_55 : i32 to vector<16xi32>
    %and3A_57 = arith.andi %get3A_51, %and3A_56 : vector<16xi32>
    %shift_left3A_58 = arith.constant 7 : i32
    %shift_left3A_59 = vector.broadcast %shift_left3A_58 : i32 to vector<16xi32>
    %shift_left3A_60 = arith.shli %and3A_57, %shift_left3A_59 : vector<16xi32>
    %shift_right_arithmetic3A_61 = arith.constant 5 : i32
    %shift_right_arithmetic3A_62 = vector.broadcast %shift_right_arithmetic3A_61 : i32 to vector<16xi32>
    %shift_right_arithmetic3A_63 = arith.shrsi %get3A_51, %shift_right_arithmetic3A_62 : vector<16xi32>
    %shift_left3A_64 = arith.constant 6 : i32
    %shift_left3A_65 = vector.broadcast %shift_left3A_64 : i32 to vector<16xi32>
    %shift_left3A_66 = arith.shli %shift_right_arithmetic3A_63, %shift_left3A_65 : vector<16xi32>
    %add3A_67 = arith.addi %shift_left3A_60, %shift_left3A_66 : vector<16xi32>
    %add3A_68 = arith.addi %add3A_67, %get3A_54 : vector<16xi32>
    %swap3A_69 = arith.constant 16 : index
    %swap3A_70 = tpu.vector_load %arg17[%swap3A_69] {strides = array<i32>} : memref<128xi32, #tpu.memory_space<vmem>>, vector<16xi32>,
    %swap3A_71 = vector.shape_cast %swap3A_70 : vector<16xi32> to vector<16xi32>
    %swap3A_72 = vector.shape_cast %add3A_68 : vector<16xi32> to vector<16xi32>
    tpu.vector_store %arg17[%swap3A_69], %swap3A_72 {strides = array<i32>} : memref<128xi32, #tpu.memory_space<vmem>>, vector<16xi32>,
    %get3A_73 = arith.constant 32 : index
    %get3A_74 = tpu.vector_load %arg12[%get3A_73] {strides = array<i32>} : memref<128xi32, #tpu.memory_space<vmem>>, vector<16xi32>,
    %get3A_75 = vector.shape_cast %get3A_74 : vector<16xi32> to vector<16xi32>
    %get3A_76 = arith.constant 32 : index
    %get3A_77 = tpu.vector_load %arg11[%get3A_76] {strides = array<i32>} : memref<128xi32, #tpu.memory_space<vmem>>, vector<16xi32>,
    %get3A_78 = vector.shape_cast %get3A_77 : vector<16xi32> to vector<16xi32>
    %and3A_79 = arith.constant 31 : i32
    %and3A_80 = vector.broadcast %and3A_79 : i32 to vector<16xi32>
    %and3A_81 = arith.andi %get3A_75, %and3A_80 : vector<16xi32>
    %shift_left3A_82 = arith.constant 7 : i32
    %shift_left3A_83 = vector.broadcast %shift_left3A_82 : i32 to vector<16xi32>
    %shift_left3A_84 = arith.shli %and3A_81, %shift_left3A_83 : vector<16xi32>
    %shift_right_arithmetic3A_85 = arith.constant 5 : i32
    %shift_right_arithmetic3A_86 = vector.broadcast %shift_right_arithmetic3A_85 : i32 to vector<16xi32>
    %shift_right_arithmetic3A_87 = arith.shrsi %get3A_75, %shift_right_arithmetic3A_86 : vector<16xi32>
    %shift_left3A_88 = arith.constant 6 : i32
    %shift_left3A_89 = vector.broadcast %shift_left3A_88 : i32 to vector<16xi32>
    %shift_left3A_90 = arith.shli %shift_right_arithmetic3A_87, %shift_left3A_89 : vector<16xi32>
    %add3A_91 = arith.addi %shift_left3A_84, %shift_left3A_90 : vector<16xi32>
    %add3A_92 = arith.addi %add3A_91, %get3A_78 : vector<16xi32>
    %swap3A_93 = arith.constant 32 : index
    %swap3A_94 = tpu.vector_load %arg17[%swap3A_93] {strides = array<i32>} : memref<128xi32, #tpu.memory_space<vmem>>, vector<16xi32>,
    %swap3A_95 = vector.shape_cast %swap3A_94 : vector<16xi32> to vector<16xi32>
    %swap3A_96 = vector.shape_cast %add3A_92 : vector<16xi32> to vector<16xi32>
    tpu.vector_store %arg17[%swap3A_93], %swap3A_96 {strides = array<i32>} : memref<128xi32, #tpu.memory_space<vmem>>, vector<16xi32>,
    %get3A_97 = arith.constant 48 : index
    %get3A_98 = tpu.vector_load %arg12[%get3A_97] {strides = array<i32>} : memref<128xi32, #tpu.memory_space<vmem>>, vector<16xi32>,
    %get3A_99 = vector.shape_cast %get3A_98 : vector<16xi32> to vector<16xi32>
    %get3A_100 = arith.constant 48 : index
    %get3A_101 = tpu.vector_load %arg11[%get3A_100] {strides = array<i32>} : memref<128xi32, #tpu.memory_space<vmem>>, vector<16xi32>,
    %get3A_102 = vector.shape_cast %get3A_101 : vector<16xi32> to vector<16xi32>
    %and3A_103 = arith.constant 31 : i32
    %and3A_104 = vector.broadcast %and3A_103 : i32 to vector<16xi32>
    %and3A_105 = arith.andi %get3A_99, %and3A_104 : vector<16xi32>
    %shift_left3A_106 = arith.constant 7 : i32
    %shift_left3A_107 = vector.broadcast %shift_left3A_106 : i32 to vector<16xi32>
    %shift_left3A_108 = arith.shli %and3A_105, %shift_left3A_107 : vector<16xi32>
    %shift_right_arithmetic3A_109 = arith.constant 5 : i32
    %shift_right_arithmetic3A_110 = vector.broadcast %shift_right_arithmetic3A_109 : i32 to vector<16xi32>
    %shift_right_arithmetic3A_111 = arith.shrsi %get3A_99, %shift_right_arithmetic3A_110 : vector<16xi32>
    %shift_left3A_112 = arith.constant 6 : i32
    %shift_left3A_113 = vector.broadcast %shift_left3A_112 : i32 to vector<16xi32>
    %shift_left3A_114 = arith.shli %shift_right_arithmetic3A_111, %shift_left3A_113 : vector<16xi32>
    %add3A_115 = arith.addi %shift_left3A_108, %shift_left3A_114 : vector<16xi32>
    %add3A_116 = arith.addi %add3A_115, %get3A_102 : vector<16xi32>
    %swap3A_117 = arith.constant 48 : index
    %swap3A_118 = tpu.vector_load %arg17[%swap3A_117] {strides = array<i32>} : memref<128xi32, #tpu.memory_space<vmem>>, vector<16xi32>,
    %swap3A_119 = vector.shape_cast %swap3A_118 : vector<16xi32> to vector<16xi32>
    %swap3A_120 = vector.shape_cast %add3A_116 : vector<16xi32> to vector<16xi32>
    tpu.vector_store %arg17[%swap3A_117], %swap3A_120 {strides = array<i32>} : memref<128xi32, #tpu.memory_space<vmem>>, vector<16xi32>,
    %get3A_121 = arith.constant 64 : index
    %get3A_122 = tpu.vector_load %arg12[%get3A_121] {strides = array<i32>} : memref<128xi32, #tpu.memory_space<vmem>>, vector<16xi32>,
    %get3A_123 = vector.shape_cast %get3A_122 : vector<16xi32> to vector<16xi32>
    %get3A_124 = arith.constant 64 : index
    %get3A_125 = tpu.vector_load %arg11[%get3A_124] {strides = array<i32>} : memref<128xi32, #tpu.memory_space<vmem>>, vector<16xi32>,
    %get3A_126 = vector.shape_cast %get3A_125 : vector<16xi32> to vector<16xi32>
    %and3A_127 = arith.constant 31 : i32
    %and3A_128 = vector.broadcast %and3A_127 : i32 to vector<16xi32>
    %and3A_129 = arith.andi %get3A_123, %and3A_128 : vector<16xi32>
    %shift_left3A_130 = arith.constant 7 : i32
    %shift_left3A_131 = vector.broadcast %shift_left3A_130 : i32 to vector<16xi32>
    %shift_left3A_132 = arith.shli %and3A_129, %shift_left3A_131 : vector<16xi32>
    %shift_right_arithmetic3A_133 = arith.constant 5 : i32
    %shift_right_arithmetic3A_134 = vector.broadcast %shift_right_arithmetic3A_133 : i32 to vector<16xi32>
    %shift_right_arithmetic3A_135 = arith.shrsi %get3A_123, %shift_right_arithmetic3A_134 : vector<16xi32>
    %shift_left3A_136 = arith.constant 6 : i32
    %shift_left3A_137 = vector.broadcast %shift_left3A_136 : i32 to vector<16xi32>
    %shift_left3A_138 = arith.shli %shift_right_arithmetic3A_135, %shift_left3A_137 : vector<16xi32>
    %add3A_139 = arith.addi %shift_left3A_132, %shift_left3A_138 : vector<16xi32>
    %add3A_140 = arith.addi %add3A_139, %get3A_126 : vector<16xi32>
    %swap3A_141 = arith.constant 64 : index
    %swap3A_142 = tpu.vector_load %arg17[%swap3A_141] {strides = array<i32>} : memref<128xi32, #tpu.memory_space<vmem>>, vector<16xi32>,
    %swap3A_143 = vector.shape_cast %swap3A_142 : vector<16xi32> to vector<16xi32>
    %swap3A_144 = vector.shape_cast %add3A_140 : vector<16xi32> to vector<16xi32>
    tpu.vector_store %arg17[%swap3A_141], %swap3A_144 {strides = array<i32>} : memref<128xi32, #tpu.memory_space<vmem>>, vector<16xi32>,
    %get3A_145 = arith.constant 80 : index
    %get3A_146 = tpu.vector_load %arg12[%get3A_145] {strides = array<i32>} : memref<128xi32, #tpu.memory_space<vmem>>, vector<16xi32>,
    %get3A_147 = vector.shape_cast %get3A_146 : vector<16xi32> to vector<16xi32>
    %get3A_148 = arith.constant 80 : index
    %get3A_149 = tpu.vector_load %arg11[%get3A_148] {strides = array<i32>} : memref<128xi32, #tpu.memory_space<vmem>>, vector<16xi32>,
    %get3A_150 = vector.shape_cast %get3A_149 : vector<16xi32> to vector<16xi32>
    %and3A_151 = arith.constant 31 : i32
    %and3A_152 = vector.broadcast %and3A_151 : i32 to vector<16xi32>
    %and3A_153 = arith.andi %get3A_147, %and3A_152 : vector<16xi32>
    %shift_left3A_154 = arith.constant 7 : i32
    %shift_left3A_155 = vector.broadcast %shift_left3A_154 : i32 to vector<16xi32>
    %shift_left3A_156 = arith.shli %and3A_153, %shift_left3A_155 : vector<16xi32>
    %shift_right_arithmetic3A_157 = arith.constant 5 : i32
    %shift_right_arithmetic3A_158 = vector.broadcast %shift_right_arithmetic3A_157 : i32 to vector<16xi32>
    %shift_right_arithmetic3A_159 = arith.shrsi %get3A_147, %shift_right_arithmetic3A_158 : vector<16xi32>
    %shift_left3A_160 = arith.constant 6 : i32
    %shift_left3A_161 = vector.broadcast %shift_left3A_160 : i32 to vector<16xi32>
    %shift_left3A_162 = arith.shli %shift_right_arithmetic3A_159, %shift_left3A_161 : vector<16xi32>
    %add3A_163 = arith.addi %shift_left3A_156, %shift_left3A_162 : vector<16xi32>
    %add3A_164 = arith.addi %add3A_163, %get3A_150 : vector<16xi32>
    %swap3A_165 = arith.constant 80 : index
    %swap3A_166 = tpu.vector_load %arg17[%swap3A_165] {strides = array<i32>} : memref<128xi32, #tpu.memory_space<vmem>>, vector<16xi32>,
    %swap3A_167 = vector.shape_cast %swap3A_166 : vector<16xi32> to vector<16xi32>
    %swap3A_168 = vector.shape_cast %add3A_164 : vector<16xi32> to vector<16xi32>
    tpu.vector_store %arg17[%swap3A_165], %swap3A_168 {strides = array<i32>} : memref<128xi32, #tpu.memory_space<vmem>>, vector<16xi32>,
    %get3A_169 = arith.constant 96 : index
    %get3A_170 = tpu.vector_load %arg12[%get3A_169] {strides = array<i32>} : memref<128xi32, #tpu.memory_space<vmem>>, vector<16xi32>,
    %get3A_171 = vector.shape_cast %get3A_170 : vector<16xi32> to vector<16xi32>
    %get3A_172 = arith.constant 96 : index
    %get3A_173 = tpu.vector_load %arg11[%get3A_172] {strides = array<i32>} : memref<128xi32, #tpu.memory_space<vmem>>, vector<16xi32>,
    %get3A_174 = vector.shape_cast %get3A_173 : vector<16xi32> to vector<16xi32>
    %and3A_175 = arith.constant 31 : i32
    %and3A_176 = vector.broadcast %and3A_175 : i32 to vector<16xi32>
    %and3A_177 = arith.andi %get3A_171, %and3A_176 : vector<16xi32>
    %shift_left3A_178 = arith.constant 7 : i32
    %shift_left3A_179 = vector.broadcast %shift_left3A_178 : i32 to vector<16xi32>
    %shift_left3A_180 = arith.shli %and3A_177, %shift_left3A_179 : vector<16xi32>
    %shift_right_arithmetic3A_181 = arith.constant 5 : i32
    %shift_right_arithmetic3A_182 = vector.broadcast %shift_right_arithmetic3A_181 : i32 to vector<16xi32>
    %shift_right_arithmetic3A_183 = arith.shrsi %get3A_171, %shift_right_arithmetic3A_182 : vector<16xi32>
    %shift_left3A_184 = arith.constant 6 : i32
    %shift_left3A_185 = vector.broadcast %shift_left3A_184 : i32 to vector<16xi32>
    %shift_left3A_186 = arith.shli %shift_right_arithmetic3A_183, %shift_left3A_185 : vector<16xi32>
    %add3A_187 = arith.addi %shift_left3A_180, %shift_left3A_186 : vector<16xi32>
    %add3A_188 = arith.addi %add3A_187, %get3A_174 : vector<16xi32>
    %swap3A_189 = arith.constant 96 : index
    %swap3A_190 = tpu.vector_load %arg17[%swap3A_189] {strides = array<i32>} : memref<128xi32, #tpu.memory_space<vmem>>, vector<16xi32>,
    %swap3A_191 = vector.shape_cast %swap3A_190 : vector<16xi32> to vector<16xi32>
    %swap3A_192 = vector.shape_cast %add3A_188 : vector<16xi32> to vector<16xi32>
    tpu.vector_store %arg17[%swap3A_189], %swap3A_192 {strides = array<i32>} : memref<128xi32, #tpu.memory_space<vmem>>, vector<16xi32>,
    %get3A_193 = arith.constant 112 : index
    %get3A_194 = tpu.vector_load %arg12[%get3A_193] {strides = array<i32>} : memref<128xi32, #tpu.memory_space<vmem>>, vector<16xi32>,
    %get3A_195 = vector.shape_cast %get3A_194 : vector<16xi32> to vector<16xi32>
    %get3A_196 = arith.constant 112 : index
    %get3A_197 = tpu.vector_load %arg11[%get3A_196] {strides = array<i32>} : memref<128xi32, #tpu.memory_space<vmem>>, vector<16xi32>,
    %get3A_198 = vector.shape_cast %get3A_197 : vector<16xi32> to vector<16xi32>
    %and3A_199 = arith.constant 31 : i32
    %and3A_200 = vector.broadcast %and3A_199 : i32 to vector<16xi32>
    %and3A_201 = arith.andi %get3A_195, %and3A_200 : vector<16xi32>
    %shift_left3A_202 = arith.constant 7 : i32
    %shift_left3A_203 = vector.broadcast %shift_left3A_202 : i32 to vector<16xi32>
    %shift_left3A_204 = arith.shli %and3A_201, %shift_left3A_203 : vector<16xi32>
    %shift_right_arithmetic3A_205 = arith.constant 5 : i32
    %shift_right_arithmetic3A_206 = vector.broadcast %shift_right_arithmetic3A_205 : i32 to vector<16xi32>
    %shift_right_arithmetic3A_207 = arith.shrsi %get3A_195, %shift_right_arithmetic3A_206 : vector<16xi32>
    %shift_left3A_208 = arith.constant 6 : i32
    %shift_left3A_209 = vector.broadcast %shift_left3A_208 : i32 to vector<16xi32>
    %shift_left3A_210 = arith.shli %shift_right_arithmetic3A_207, %shift_left3A_209 : vector<16xi32>
    %add3A_211 = arith.addi %shift_left3A_204, %shift_left3A_210 : vector<16xi32>
    %add3A_212 = arith.addi %add3A_211, %get3A_198 : vector<16xi32>
    %swap3A_213 = arith.constant 112 : index
    %swap3A_214 = tpu.vector_load %arg17[%swap3A_213] {strides = array<i32>} : memref<128xi32, #tpu.memory_space<vmem>>, vector<16xi32>,
    %swap3A_215 = vector.shape_cast %swap3A_214 : vector<16xi32> to vector<16xi32>
    %swap3A_216 = vector.shape_cast %add3A_212 : vector<16xi32> to vector<16xi32>
    tpu.vector_store %arg17[%swap3A_213], %swap3A_216 {strides = array<i32>} : memref<128xi32, #tpu.memory_space<vmem>>, vector<16xi32>,
    %iota3A = tpu.iota {dimensions = array<i32: 0>} : vector<16xi32>
    %jit3A = arith.constant 2 : i32
    %div3A = arith.divsi %arg1, %jit3A : i32
    %sign3A = arith.constant 0 : i32
    %sign3A_217 = arith.cmpi sgt, %arg1, %sign3A : i32
    %sign3A_218 = arith.extui %sign3A_217 : i1 to i32
    %sign3A_219 = arith.constant 0 : i32
    %sign3A_220 = arith.cmpi slt, %arg1, %sign3A_219 : i32
    %sign3A_221 = arith.extui %sign3A_220 : i1 to i32
    %sign3A_222 = arith.subi %sign3A_218, %sign3A_221 : i32
    %sign3A_223 = arith.constant 0 : i32
    %sign3A_224 = arith.cmpi sgt, %jit3A, %sign3A_223 : i32
    %sign3A_225 = arith.extui %sign3A_224 : i1 to i32
    %sign3A_226 = arith.constant 0 : i32
    %sign3A_227 = arith.cmpi slt, %jit3A, %sign3A_226 : i32
    %sign3A_228 = arith.extui %sign3A_227 : i1 to i32
    %sign3A_229 = arith.subi %sign3A_225, %sign3A_228 : i32
    %ne3A = arith.cmpi ne, %sign3A_222, %sign3A_229 : i32
    %rem3A = arith.remsi %arg1, %jit3A : i32
    %ne3A_230 = arith.constant 0 : i32
    %ne3A_231 = arith.cmpi ne, %rem3A, %ne3A_230 : i32
    %and3A_232 = arith.andi %ne3A, %ne3A_231 : i1
    %sub3A = arith.constant 1 : i32
    %sub3A_233 = arith.subi %div3A, %sub3A : i32
    %select_n3A = arith.select %and3A_232, %sub3A_233, %div3A : i32
    %dma_wait3A_234 = tpu.memref_slice %arg4[%mul3A_13] : memref<512xi32, #tpu.memory_space<hbm>> -> memref<32xi32, #tpu.memory_space<hbm>>
    %dma_wait3A_235 = tpu.memref_slice %arg4[%mul3A_13] : memref<512xi32, #tpu.memory_space<hbm>> -> memref<32xi32, #tpu.memory_space<hbm>>
    tpu.wait_dma2 semaphore(%arg25 : memref<!tpu.dma_semaphore, #tpu.memory_space<semaphore_mem>>) src(%dma_wait3A_235 : memref<32xi32, #tpu.memory_space<hbm>>) dst(%arg13 : memref<32xi32, #tpu.memory_space<vmem>>)
    %dma_wait3A_236 = tpu.memref_slice %arg5[%mul3A_17] : memref<512xi32, #tpu.memory_space<hbm>> -> memref<32xi32, #tpu.memory_space<hbm>>
    %dma_wait3A_237 = tpu.memref_slice %arg5[%mul3A_17] : memref<512xi32, #tpu.memory_space<hbm>> -> memref<32xi32, #tpu.memory_space<hbm>>
    tpu.wait_dma2 semaphore(%arg26 : memref<!tpu.dma_semaphore, #tpu.memory_space<semaphore_mem>>) src(%dma_wait3A_237 : memref<32xi32, #tpu.memory_space<hbm>>) dst(%arg14 : memref<32xi32, #tpu.memory_space<vmem>>)
    %dma_wait3A_238 = tpu.memref_slice %arg6[%mul3A_21] : memref<512xi32, #tpu.memory_space<hbm>> -> memref<32xi32, #tpu.memory_space<hbm>>
    %dma_wait3A_239 = tpu.memref_slice %arg6[%mul3A_21] : memref<512xi32, #tpu.memory_space<hbm>> -> memref<32xi32, #tpu.memory_space<hbm>>
    tpu.wait_dma2 semaphore(%arg27 : memref<!tpu.dma_semaphore, #tpu.memory_space<semaphore_mem>>) src(%dma_wait3A_239 : memref<32xi32, #tpu.memory_space<hbm>>) dst(%arg15 : memref<32xi32, #tpu.memory_space<vmem>>)
    %dma_wait3A_240 = tpu.memref_slice %arg7[%mul3A_25] : memref<512xi32, #tpu.memory_space<hbm>> -> memref<32xi32, #tpu.memory_space<hbm>>
    %dma_wait3A_241 = tpu.memref_slice %arg7[%mul3A_25] : memref<512xi32, #tpu.memory_space<hbm>> -> memref<32xi32, #tpu.memory_space<hbm>>
    tpu.wait_dma2 semaphore(%arg28 : memref<!tpu.dma_semaphore, #tpu.memory_space<semaphore_mem>>) src(%dma_wait3A_241 : memref<32xi32, #tpu.memory_space<hbm>>) dst(%arg16 : memref<32xi32, #tpu.memory_space<vmem>>)
    %jit3A_242 = arith.constant 2 : i32
    %eq3A = arith.constant 0 : i32
    %eq3A_243 = arith.cmpi eq, %jit3A_242, %eq3A : i32
    %jit3A_244 = arith.constant 1 : i32
    %select_n3A_245 = arith.select %eq3A_243, %jit3A_244, %jit3A_242 : i32
    %rem3A_246 = arith.remsi %arg1, %select_n3A_245 : i32
    %ne3A_247 = arith.constant 0 : i32
    %ne3A_248 = arith.cmpi ne, %rem3A_246, %ne3A_247 : i32
    %lt3A = arith.constant 0 : i32
    %lt3A_249 = arith.cmpi slt, %rem3A_246, %lt3A : i32
    %lt3A_250 = arith.constant 0 : i32
    %lt3A_251 = arith.cmpi slt, %select_n3A_245, %lt3A_250 : i32
    %ne3A_252 = arith.xori %lt3A_249, %lt3A_251 : i1
    %and3A_253 = arith.andi %ne3A_252, %ne3A_248 : i1
    %add3A_254 = arith.addi %rem3A_246, %select_n3A_245 : i32
    %select_n3A_255 = arith.select %and3A_253, %add3A_254, %rem3A_246 : i32
    %mul3A_256 = arith.constant 32 : i32
    %mul3A_257 = arith.muli %select_n3A_255, %mul3A_256 : i32
    %add3A_258 = arith.constant 0 : i32
    %add3A_259 = arith.addi %mul3A_257, %add3A_258 : i32
    %add3A_260 = vector.broadcast %add3A_259 : i32 to vector<16xi32>
    %add3A_261 = arith.addi %add3A_260, %iota3A : vector<16xi32>
    %get3A_262 = arith.constant 0 : index
    %get3A_263 = tpu.vector_load %arg13[%get3A_262] {strides = array<i32>} : memref<32xi32, #tpu.memory_space<vmem>>, vector<16xi32>,
    %get3A_264 = vector.shape_cast %get3A_263 : vector<16xi32> to vector<16xi32>
    %get3A_265 = arith.constant 0 : index
    %get3A_266 = tpu.vector_load %arg14[%get3A_265] {strides = array<i32>} : memref<32xi32, #tpu.memory_space<vmem>>, vector<16xi32>,
    %get3A_267 = vector.shape_cast %get3A_266 : vector<16xi32> to vector<16xi32>
    %mul3A_268 = arith.constant 8 : i32
    %mul3A_269 = vector.broadcast %mul3A_268 : i32 to vector<16xi32>
    %mul3A_270 = arith.muli %get3A_264, %mul3A_269 : vector<16xi32>
    %add3A_271 = vector.broadcast %select_n3A : i32 to vector<16xi32>
    %add3A_272 = arith.addi %mul3A_270, %add3A_271 : vector<16xi32>
    %shift_left3A_273 = arith.constant 11 : i32
    %shift_left3A_274 = vector.broadcast %shift_left3A_273 : i32 to vector<16xi32>
    %shift_left3A_275 = arith.shli %get3A_267, %shift_left3A_274 : vector<16xi32>
    %add3A_276 = arith.constant 4096 : i32
    %add3A_277 = vector.broadcast %add3A_276 : i32 to vector<16xi32>
    %add3A_278 = arith.addi %add3A_277, %shift_left3A_275 : vector<16xi32>
    %and3A_279 = arith.constant 15 : i32
    %and3A_280 = vector.broadcast %and3A_279 : i32 to vector<16xi32>
    %and3A_281 = arith.andi %add3A_272, %and3A_280 : vector<16xi32>
    %shift_left3A_282 = arith.constant 7 : i32
    %shift_left3A_283 = vector.broadcast %shift_left3A_282 : i32 to vector<16xi32>
    %shift_left3A_284 = arith.shli %and3A_281, %shift_left3A_283 : vector<16xi32>
    %add3A_285 = arith.addi %add3A_278, %shift_left3A_284 : vector<16xi32>
    %shift_right_arithmetic3A_286 = arith.constant 4 : i32
    %shift_right_arithmetic3A_287 = vector.broadcast %shift_right_arithmetic3A_286 : i32 to vector<16xi32>
    %shift_right_arithmetic3A_288 = arith.shrsi %add3A_272, %shift_right_arithmetic3A_287 : vector<16xi32>
    %shift_left3A_289 = arith.constant 6 : i32
    %shift_left3A_290 = vector.broadcast %shift_left3A_289 : i32 to vector<16xi32>
    %shift_left3A_291 = arith.shli %shift_right_arithmetic3A_288, %shift_left3A_290 : vector<16xi32>
    %add3A_292 = arith.addi %add3A_285, %shift_left3A_291 : vector<16xi32>
    %add3A_293 = arith.addi %add3A_292, %add3A_261 : vector<16xi32>
    %swap3A_294 = arith.constant 0 : index
    %swap3A_295 = tpu.vector_load %arg18[%swap3A_294] {strides = array<i32>} : memref<64xi32, #tpu.memory_space<vmem>>, vector<16xi32>,
    %swap3A_296 = vector.shape_cast %swap3A_295 : vector<16xi32> to vector<16xi32>
    %swap3A_297 = vector.shape_cast %add3A_293 : vector<16xi32> to vector<16xi32>
    tpu.vector_store %arg18[%swap3A_294], %swap3A_297 {strides = array<i32>} : memref<64xi32, #tpu.memory_space<vmem>>, vector<16xi32>,
    %get3A_298 = arith.constant 0 : index
    %get3A_299 = tpu.vector_load %arg15[%get3A_298] {strides = array<i32>} : memref<32xi32, #tpu.memory_space<vmem>>, vector<16xi32>,
    %get3A_300 = vector.shape_cast %get3A_299 : vector<16xi32> to vector<16xi32>
    %get3A_301 = arith.constant 0 : index
    %get3A_302 = tpu.vector_load %arg16[%get3A_301] {strides = array<i32>} : memref<32xi32, #tpu.memory_space<vmem>>, vector<16xi32>,
    %get3A_303 = vector.shape_cast %get3A_302 : vector<16xi32> to vector<16xi32>
    %mul3A_304 = arith.constant 8 : i32
    %mul3A_305 = vector.broadcast %mul3A_304 : i32 to vector<16xi32>
    %mul3A_306 = arith.muli %get3A_300, %mul3A_305 : vector<16xi32>
    %add3A_307 = vector.broadcast %select_n3A : i32 to vector<16xi32>
    %add3A_308 = arith.addi %mul3A_306, %add3A_307 : vector<16xi32>
    %shift_left3A_309 = arith.constant 11 : i32
    %shift_left3A_310 = vector.broadcast %shift_left3A_309 : i32 to vector<16xi32>
    %shift_left3A_311 = arith.shli %get3A_303, %shift_left3A_310 : vector<16xi32>
    %add3A_312 = arith.constant 12288 : i32
    %add3A_313 = vector.broadcast %add3A_312 : i32 to vector<16xi32>
    %add3A_314 = arith.addi %add3A_313, %shift_left3A_311 : vector<16xi32>
    %and3A_315 = arith.constant 15 : i32
    %and3A_316 = vector.broadcast %and3A_315 : i32 to vector<16xi32>
    %and3A_317 = arith.andi %add3A_308, %and3A_316 : vector<16xi32>
    %shift_left3A_318 = arith.constant 7 : i32
    %shift_left3A_319 = vector.broadcast %shift_left3A_318 : i32 to vector<16xi32>
    %shift_left3A_320 = arith.shli %and3A_317, %shift_left3A_319 : vector<16xi32>
    %add3A_321 = arith.addi %add3A_314, %shift_left3A_320 : vector<16xi32>
    %shift_right_arithmetic3A_322 = arith.constant 4 : i32
    %shift_right_arithmetic3A_323 = vector.broadcast %shift_right_arithmetic3A_322 : i32 to vector<16xi32>
    %shift_right_arithmetic3A_324 = arith.shrsi %add3A_308, %shift_right_arithmetic3A_323 : vector<16xi32>
    %shift_left3A_325 = arith.constant 6 : i32
    %shift_left3A_326 = vector.broadcast %shift_left3A_325 : i32 to vector<16xi32>
    %shift_left3A_327 = arith.shli %shift_right_arithmetic3A_324, %shift_left3A_326 : vector<16xi32>
    %add3A_328 = arith.addi %add3A_321, %shift_left3A_327 : vector<16xi32>
    %add3A_329 = arith.addi %add3A_328, %add3A_261 : vector<16xi32>
    %swap3A_330 = arith.constant 32 : index
    %swap3A_331 = tpu.vector_load %arg18[%swap3A_330] {strides = array<i32>} : memref<64xi32, #tpu.memory_space<vmem>>, vector<16xi32>,
    %swap3A_332 = vector.shape_cast %swap3A_331 : vector<16xi32> to vector<16xi32>
    %swap3A_333 = vector.shape_cast %add3A_329 : vector<16xi32> to vector<16xi32>
    tpu.vector_store %arg18[%swap3A_330], %swap3A_333 {strides = array<i32>} : memref<64xi32, #tpu.memory_space<vmem>>, vector<16xi32>,
    %jit3A_334 = arith.constant 2 : i32
    %eq3A_335 = arith.constant 0 : i32
    %eq3A_336 = arith.cmpi eq, %jit3A_334, %eq3A_335 : i32
    %jit3A_337 = arith.constant 1 : i32
    %select_n3A_338 = arith.select %eq3A_336, %jit3A_337, %jit3A_334 : i32
    %rem3A_339 = arith.remsi %arg1, %select_n3A_338 : i32
    %ne3A_340 = arith.constant 0 : i32
    %ne3A_341 = arith.cmpi ne, %rem3A_339, %ne3A_340 : i32
    %lt3A_342 = arith.constant 0 : i32
    %lt3A_343 = arith.cmpi slt, %rem3A_339, %lt3A_342 : i32
    %lt3A_344 = arith.constant 0 : i32
    %lt3A_345 = arith.cmpi slt, %select_n3A_338, %lt3A_344 : i32
    %ne3A_346 = arith.xori %lt3A_343, %lt3A_345 : i1
    %and3A_347 = arith.andi %ne3A_346, %ne3A_341 : i1
    %add3A_348 = arith.addi %rem3A_339, %select_n3A_338 : i32
    %select_n3A_349 = arith.select %and3A_347, %add3A_348, %rem3A_339 : i32
    %mul3A_350 = arith.constant 32 : i32
    %mul3A_351 = arith.muli %select_n3A_349, %mul3A_350 : i32
    %add3A_352 = arith.constant 16 : i32
    %add3A_353 = arith.addi %mul3A_351, %add3A_352 : i32
    %add3A_354 = vector.broadcast %add3A_353 : i32 to vector<16xi32>
    %add3A_355 = arith.addi %add3A_354, %iota3A : vector<16xi32>
    %get3A_356 = arith.constant 16 : index
    %get3A_357 = tpu.vector_load %arg13[%get3A_356] {strides = array<i32>} : memref<32xi32, #tpu.memory_space<vmem>>, vector<16xi32>,
    %get3A_358 = vector.shape_cast %get3A_357 : vector<16xi32> to vector<16xi32>
    %get3A_359 = arith.constant 16 : index
    %get3A_360 = tpu.vector_load %arg14[%get3A_359] {strides = array<i32>} : memref<32xi32, #tpu.memory_space<vmem>>, vector<16xi32>,
    %get3A_361 = vector.shape_cast %get3A_360 : vector<16xi32> to vector<16xi32>
    %mul3A_362 = arith.constant 8 : i32
    %mul3A_363 = vector.broadcast %mul3A_362 : i32 to vector<16xi32>
    %mul3A_364 = arith.muli %get3A_358, %mul3A_363 : vector<16xi32>
    %add3A_365 = vector.broadcast %select_n3A : i32 to vector<16xi32>
    %add3A_366 = arith.addi %mul3A_364, %add3A_365 : vector<16xi32>
    %shift_left3A_367 = arith.constant 11 : i32
    %shift_left3A_368 = vector.broadcast %shift_left3A_367 : i32 to vector<16xi32>
    %shift_left3A_369 = arith.shli %get3A_361, %shift_left3A_368 : vector<16xi32>
    %add3A_370 = arith.constant 4096 : i32
    %add3A_371 = vector.broadcast %add3A_370 : i32 to vector<16xi32>
    %add3A_372 = arith.addi %add3A_371, %shift_left3A_369 : vector<16xi32>
    %and3A_373 = arith.constant 15 : i32
    %and3A_374 = vector.broadcast %and3A_373 : i32 to vector<16xi32>
    %and3A_375 = arith.andi %add3A_366, %and3A_374 : vector<16xi32>
    %shift_left3A_376 = arith.constant 7 : i32
    %shift_left3A_377 = vector.broadcast %shift_left3A_376 : i32 to vector<16xi32>
    %shift_left3A_378 = arith.shli %and3A_375, %shift_left3A_377 : vector<16xi32>
    %add3A_379 = arith.addi %add3A_372, %shift_left3A_378 : vector<16xi32>
    %shift_right_arithmetic3A_380 = arith.constant 4 : i32
    %shift_right_arithmetic3A_381 = vector.broadcast %shift_right_arithmetic3A_380 : i32 to vector<16xi32>
    %shift_right_arithmetic3A_382 = arith.shrsi %add3A_366, %shift_right_arithmetic3A_381 : vector<16xi32>
    %shift_left3A_383 = arith.constant 6 : i32
    %shift_left3A_384 = vector.broadcast %shift_left3A_383 : i32 to vector<16xi32>
    %shift_left3A_385 = arith.shli %shift_right_arithmetic3A_382, %shift_left3A_384 : vector<16xi32>
    %add3A_386 = arith.addi %add3A_379, %shift_left3A_385 : vector<16xi32>
    %add3A_387 = arith.addi %add3A_386, %add3A_355 : vector<16xi32>
    %swap3A_388 = arith.constant 16 : index
    %swap3A_389 = tpu.vector_load %arg18[%swap3A_388] {strides = array<i32>} : memref<64xi32, #tpu.memory_space<vmem>>, vector<16xi32>,
    %swap3A_390 = vector.shape_cast %swap3A_389 : vector<16xi32> to vector<16xi32>
    %swap3A_391 = vector.shape_cast %add3A_387 : vector<16xi32> to vector<16xi32>
    tpu.vector_store %arg18[%swap3A_388], %swap3A_391 {strides = array<i32>} : memref<64xi32, #tpu.memory_space<vmem>>, vector<16xi32>,
    %get3A_392 = arith.constant 16 : index
    %get3A_393 = tpu.vector_load %arg15[%get3A_392] {strides = array<i32>} : memref<32xi32, #tpu.memory_space<vmem>>, vector<16xi32>,
    %get3A_394 = vector.shape_cast %get3A_393 : vector<16xi32> to vector<16xi32>
    %get3A_395 = arith.constant 16 : index
    %get3A_396 = tpu.vector_load %arg16[%get3A_395] {strides = array<i32>} : memref<32xi32, #tpu.memory_space<vmem>>, vector<16xi32>,
    %get3A_397 = vector.shape_cast %get3A_396 : vector<16xi32> to vector<16xi32>
    %mul3A_398 = arith.constant 8 : i32
    %mul3A_399 = vector.broadcast %mul3A_398 : i32 to vector<16xi32>
    %mul3A_400 = arith.muli %get3A_394, %mul3A_399 : vector<16xi32>
    %add3A_401 = vector.broadcast %select_n3A : i32 to vector<16xi32>
    %add3A_402 = arith.addi %mul3A_400, %add3A_401 : vector<16xi32>
    %shift_left3A_403 = arith.constant 11 : i32
    %shift_left3A_404 = vector.broadcast %shift_left3A_403 : i32 to vector<16xi32>
    %shift_left3A_405 = arith.shli %get3A_397, %shift_left3A_404 : vector<16xi32>
    %add3A_406 = arith.constant 12288 : i32
    %add3A_407 = vector.broadcast %add3A_406 : i32 to vector<16xi32>
    %add3A_408 = arith.addi %add3A_407, %shift_left3A_405 : vector<16xi32>
    %and3A_409 = arith.constant 15 : i32
    %and3A_410 = vector.broadcast %and3A_409 : i32 to vector<16xi32>
    %and3A_411 = arith.andi %add3A_402, %and3A_410 : vector<16xi32>
    %shift_left3A_412 = arith.constant 7 : i32
    %shift_left3A_413 = vector.broadcast %shift_left3A_412 : i32 to vector<16xi32>
    %shift_left3A_414 = arith.shli %and3A_411, %shift_left3A_413 : vector<16xi32>
    %add3A_415 = arith.addi %add3A_408, %shift_left3A_414 : vector<16xi32>
    %shift_right_arithmetic3A_416 = arith.constant 4 : i32
    %shift_right_arithmetic3A_417 = vector.broadcast %shift_right_arithmetic3A_416 : i32 to vector<16xi32>
    %shift_right_arithmetic3A_418 = arith.shrsi %add3A_402, %shift_right_arithmetic3A_417 : vector<16xi32>
    %shift_left3A_419 = arith.constant 6 : i32
    %shift_left3A_420 = vector.broadcast %shift_left3A_419 : i32 to vector<16xi32>
    %shift_left3A_421 = arith.shli %shift_right_arithmetic3A_418, %shift_left3A_420 : vector<16xi32>
    %add3A_422 = arith.addi %add3A_415, %shift_left3A_421 : vector<16xi32>
    %add3A_423 = arith.addi %add3A_422, %add3A_355 : vector<16xi32>
    %swap3A_424 = arith.constant 48 : index
    %swap3A_425 = tpu.vector_load %arg18[%swap3A_424] {strides = array<i32>} : memref<64xi32, #tpu.memory_space<vmem>>, vector<16xi32>,
    %swap3A_426 = vector.shape_cast %swap3A_425 : vector<16xi32> to vector<16xi32>
    %swap3A_427 = vector.shape_cast %add3A_423 : vector<16xi32> to vector<16xi32>
    tpu.vector_store %arg18[%swap3A_424], %swap3A_427 {strides = array<i32>} : memref<64xi32, #tpu.memory_space<vmem>>, vector<16xi32>,
    %dma_wait3A_428 = tpu.memref_slice %arg20[%mul3A_2] : memref<20480xf32, #tpu.memory_space<vmem_shared>> -> memref<1280xf32, #tpu.memory_space<vmem_shared>>
    %dma_wait3A_429 = tpu.memref_slice %arg8[%mul3A_0] : memref<20480xf32, #tpu.memory_space<hbm>> -> memref<1280xf32, #tpu.memory_space<hbm>>
    tpu.wait_dma2 semaphore(%arg21 : memref<!tpu.dma_semaphore, #tpu.memory_space<semaphore_mem>>) src(%dma_wait3A_429 : memref<1280xf32, #tpu.memory_space<hbm>>) dst(%dma_wait3A_428 : memref<1280xf32, #tpu.memory_space<vmem_shared>>)
    tpu.wait_dma2 semaphore(%arg24 : memref<!tpu.dma_semaphore, #tpu.memory_space<semaphore_mem>>) src(%arg9 : memref<128xf32, #tpu.memory_space<hbm>>) dst(%arg19 : memref<128xf32, #tpu.memory_space<vmem>>)
    %barrier3A = arith.constant 0 : index
    tpu.barrier barrier_id(%barrier3A)
    "tpu.region"() ({
      %run_scoped3A = tpu.sem_alloc : memref<!tpu.dma_semaphore, #tpu.memory_space<semaphore_mem>>
      %dma_start3A_435 = arith.constant 0 : i32
      %dma_start3A_436 = tpu.memref_slice %arg20[%dma_start3A_435] : memref<20480xf32, #tpu.memory_space<vmem_shared>> -> memref<20480xf32, #tpu.memory_space<vmem_shared>>
      tpu.enqueue_indirect_dma source(%arg19 : memref<128xf32, #tpu.memory_space<vmem>>) target(%dma_start3A_436 : memref<20480xf32, #tpu.memory_space<vmem_shared>>) offsets(%arg17 : memref<128xi32, #tpu.memory_space<vmem>>) semaphore(%run_scoped3A : memref<!tpu.dma_semaphore, #tpu.memory_space<semaphore_mem>>) {add = true}
      %dma_wait3A_437 = arith.constant 0 : i32
      %dma_wait3A_438 = tpu.memref_slice %arg20[%dma_wait3A_437] : memref<20480xf32, #tpu.memory_space<vmem_shared>> -> memref<20480xf32, #tpu.memory_space<vmem_shared>>
      tpu.wait_indirect_dma semaphore(%run_scoped3A : memref<!tpu.dma_semaphore, #tpu.memory_space<semaphore_mem>>) src(%arg19 : memref<128xf32, #tpu.memory_space<vmem>>) dst(%dma_wait3A_438 : memref<20480xf32, #tpu.memory_space<vmem_shared>>)
      tpu.yield
    }) : () -> ()
    "tpu.region"() ({
      %run_scoped3A = tpu.sem_alloc : memref<!tpu.dma_semaphore, #tpu.memory_space<semaphore_mem>>
      %dma_start3A_435 = arith.constant 0 : i32
      %dma_start3A_436 = tpu.memref_slice %arg19[%dma_start3A_435] : memref<128xf32, #tpu.memory_space<vmem>> -> memref<64xf32, #tpu.memory_space<vmem>>
      %dma_start3A_437 = arith.constant 0 : i32
      %dma_start3A_438 = tpu.memref_slice %arg20[%dma_start3A_437] : memref<20480xf32, #tpu.memory_space<vmem_shared>> -> memref<20480xf32, #tpu.memory_space<vmem_shared>>
      tpu.enqueue_indirect_dma source(%dma_start3A_436 : memref<64xf32, #tpu.memory_space<vmem>>) target(%dma_start3A_438 : memref<20480xf32, #tpu.memory_space<vmem_shared>>) offsets(%arg18 : memref<64xi32, #tpu.memory_space<vmem>>) semaphore(%run_scoped3A : memref<!tpu.dma_semaphore, #tpu.memory_space<semaphore_mem>>) {add = true}
      %dma_wait3A_439 = arith.constant 0 : i32
      %dma_wait3A_440 = tpu.memref_slice %arg19[%dma_wait3A_439] : memref<128xf32, #tpu.memory_space<vmem>> -> memref<64xf32, #tpu.memory_space<vmem>>
      %dma_wait3A_441 = arith.constant 0 : i32
      %dma_wait3A_442 = tpu.memref_slice %arg20[%dma_wait3A_441] : memref<20480xf32, #tpu.memory_space<vmem_shared>> -> memref<20480xf32, #tpu.memory_space<vmem_shared>>
      tpu.wait_indirect_dma semaphore(%run_scoped3A : memref<!tpu.dma_semaphore, #tpu.memory_space<semaphore_mem>>) src(%dma_wait3A_440 : memref<64xf32, #tpu.memory_space<vmem>>) dst(%dma_wait3A_442 : memref<20480xf32, #tpu.memory_space<vmem_shared>>)
      tpu.yield
    }) : () -> ()
    %barrier3A_430 = arith.constant 0 : index
    tpu.barrier barrier_id(%barrier3A_430)
    %mul3A_431 = arith.constant 1280 : i32
    %mul3A_432 = arith.muli %arg1, %mul3A_431 : i32
    %mul3A_433 = arith.constant 1280 : i32
    %mul3A_434 = arith.muli %arg1, %mul3A_433 : i32
    "tpu.region"() ({
      %run_scoped3A = tpu.sem_alloc : memref<!tpu.dma_semaphore, #tpu.memory_space<semaphore_mem>>
      %dma_start3A_435 = tpu.memref_slice %arg10[%mul3A_434] : memref<20480xf32, #tpu.memory_space<hbm>> -> memref<1280xf32, #tpu.memory_space<hbm>>
      %dma_start3A_436 = tpu.memref_slice %arg20[%mul3A_432] : memref<20480xf32, #tpu.memory_space<vmem_shared>> -> memref<1280xf32, #tpu.memory_space<vmem_shared>>
      tpu.enqueue_dma source(%dma_start3A_436 : memref<1280xf32, #tpu.memory_space<vmem_shared>>) target(%dma_start3A_435 : memref<1280xf32, #tpu.memory_space<hbm>>) target_semaphore(%run_scoped3A : memref<!tpu.dma_semaphore, #tpu.memory_space<semaphore_mem>>)
      %dma_wait3A_437 = tpu.memref_slice %arg10[%mul3A_434] : memref<20480xf32, #tpu.memory_space<hbm>> -> memref<1280xf32, #tpu.memory_space<hbm>>
      %dma_wait3A_438 = tpu.memref_slice %arg20[%mul3A_432] : memref<20480xf32, #tpu.memory_space<vmem_shared>> -> memref<1280xf32, #tpu.memory_space<vmem_shared>>
      tpu.wait_dma2 semaphore(%run_scoped3A : memref<!tpu.dma_semaphore, #tpu.memory_space<semaphore_mem>>) src(%dma_wait3A_438 : memref<1280xf32, #tpu.memory_space<vmem_shared>>) dst(%dma_wait3A_437 : memref<1280xf32, #tpu.memory_space<hbm>>)
      tpu.yield
    }) : () -> ()
    return
  }
}

module attributes {stable_mosaic.version = 14 : i64} {
  func.func @_tc_body(%arg0: memref<64x512xf32, #tpu.memory_space<vmem>>, %arg1: memref<160x128xf32, #tpu.memory_space<vmem>>, %arg2: memref<512x1024xf32, #tpu.memory_space<vmem>>, %arg3: memref<1024x1024xf32, #tpu.memory_space<hbm>>, %arg4: memref<1024x1024xf32, #tpu.memory_space<hbm>>, %arg5: memref<1024x1024xf32, #tpu.memory_space<hbm>>, %arg6: memref<1x1024xf32, #tpu.memory_space<vmem>>, %arg7: memref<1x1024xf32, #tpu.memory_space<vmem>>, %arg8: memref<1x1024xf32, #tpu.memory_space<vmem>>, %arg9: memref<1x1024xf32, #tpu.memory_space<vmem>>, %arg10: memref<64x64xf32, #tpu.memory_space<vmem>>, %arg11: memref<1x1xf32, #tpu.memory_space<vmem>>, %arg12: memref<1x1xf32, #tpu.memory_space<vmem>>, %arg13: memref<1024x1024xf32, #tpu.memory_space<vmem>>, %arg14: memref<1024x1024xf32, #tpu.memory_space<vmem>>, %arg15: memref<1024x1024xf32, #tpu.memory_space<vmem>>, %arg16: memref<!tpu.dma_semaphore, #tpu.memory_space<semaphore_mem>>, %arg17: memref<!tpu.dma_semaphore, #tpu.memory_space<semaphore_mem>>, %arg18: memref<!tpu.dma_semaphore, #tpu.memory_space<semaphore_mem>>) attributes {dimension_semantics = [], scalar_prefetch = 0 : i64, scratch_operands = 6 : i64, tpu.core_type = #tpu.core_type<tc>} {
    tpu.enqueue_dma source(%arg3 : memref<1024x1024xf32, #tpu.memory_space<hbm>>) target(%arg13 : memref<1024x1024xf32, #tpu.memory_space<vmem>>) target_semaphore(%arg16 : memref<!tpu.dma_semaphore, #tpu.memory_space<semaphore_mem>>)
    tpu.enqueue_dma source(%arg4 : memref<1024x1024xf32, #tpu.memory_space<hbm>>) target(%arg14 : memref<1024x1024xf32, #tpu.memory_space<vmem>>) target_semaphore(%arg17 : memref<!tpu.dma_semaphore, #tpu.memory_space<semaphore_mem>>)
    tpu.enqueue_dma source(%arg5 : memref<1024x1024xf32, #tpu.memory_space<hbm>>) target(%arg15 : memref<1024x1024xf32, #tpu.memory_space<vmem>>) target_semaphore(%arg18 : memref<!tpu.dma_semaphore, #tpu.memory_space<semaphore_mem>>)
    %get3A = arith.constant 0 : index
    %get3A_0 = arith.constant 0 : index
    %get3A_1 = vector.load %arg1[%get3A, %get3A_0] : memref<160x128xf32, #tpu.memory_space<vmem>>, vector<160x128xf32>
    %slice3A = vector.extract_strided_slice %get3A_1 {offsets = [0, 0], sizes = [32, 128], strides = [1, 1]} : vector<160x128xf32> to vector<32x128xf32>
    %slice3A_2 = vector.extract_strided_slice %slice3A {offsets = [0, 0], sizes = [32, 64], strides = [1, 1]} : vector<32x128xf32> to vector<32x64xf32>
    %slice3A_3 = vector.extract_strided_slice %slice3A {offsets = [0, 64], sizes = [32, 64], strides = [1, 1]} : vector<32x128xf32> to vector<32x64xf32>
    %concatenate3A = tpu.concatenate %slice3A_2, %slice3A_3 in 0 : vector<32x64xf32>, vector<32x64xf32> -> vector<64x64xf32>
    %reduce_sum3A = arith.constant dense<0.000000e+00> : vector<64xf32>
    %reduce_sum3A_4 = vector.multi_reduction <add>, %concatenate3A, %reduce_sum3A [1] : vector<64x64xf32> to vector<64xf32>
    %broadcast_in_dim3A = vector.shape_cast %reduce_sum3A_4 : vector<64xf32> to vector<64x1xf32>
    %add3A = arith.constant 1.000000e+00 : f32
    %add3A_5 = vector.broadcast %add3A : f32 to vector<64x1xf32>
    %add3A_6 = arith.addf %broadcast_in_dim3A, %add3A_5 : vector<64x1xf32>
    %rsqrt3A = math.rsqrt %add3A_6 : vector<64x1xf32>
    %iota3A = tpu.iota {dimensions = array<i32: 0>} : vector<64x64xi32>
    %iota3A_7 = tpu.iota {dimensions = array<i32: 1>} : vector<64x64xi32>
    %eq3A = arith.cmpi eq, %iota3A, %iota3A_7 : vector<64x64xi32>
    %convert_element_type3A = arith.extui %eq3A : vector<64x64xi1> to vector<64x64xi32>
    %convert_element_type3A_8 = arith.sitofp %convert_element_type3A : vector<64x64xi32> to vector<64x64xf32>
    %add3A_9 = arith.addf %concatenate3A, %convert_element_type3A_8 : vector<64x64xf32>
    %mul3A = vector.broadcast %rsqrt3A : vector<64x1xf32> to vector<64x64xf32>
    %mul3A_10 = arith.mulf %add3A_9, %mul3A : vector<64x64xf32>
    %transpose3A = tpu.transpose %rsqrt3A, [1, 0] : vector<64x1xf32> -> vector<1x64xf32>
    %mul3A_11 = vector.broadcast %transpose3A : vector<1x64xf32> to vector<64x64xf32>
    %mul3A_12 = arith.mulf %mul3A_10, %mul3A_11 : vector<64x64xf32>
    %get3A_13 = arith.constant 0 : index
    %get3A_14 = arith.constant 0 : index
    %get3A_15 = vector.load %arg0[%get3A_13, %get3A_14] : memref<64x512xf32, #tpu.memory_space<vmem>>, vector<64x512xf32>
    %get3A_16 = arith.constant 0 : index
    %get3A_17 = arith.constant 0 : index
    %get3A_18 = vector.load %arg2[%get3A_16, %get3A_17] : memref<512x1024xf32, #tpu.memory_space<vmem>>, vector<512x1024xf32>
    %dot_general3A = arith.constant dense<0.000000e+00> : vector<64x1024xf32>
    %dot_general3A_19 = tpu.matmul %get3A_15, %get3A_18, %dot_general3A {dimension_numbers = #tpu.dot_dimension_numbers<[1], [0], [0], [1], [0, 0, 1, 1], [], []>, precision = #tpu.contract_precision<fp32>, transpose_lhs_hint = false} : vector<64x512xf32>, vector<512x1024xf32>, vector<64x1024xf32> -> vector<64x1024xf32>
    %dot_general3A_20 = arith.constant dense<0.000000e+00> : vector<64x1024xf32>
    %dot_general3A_21 = tpu.matmul %mul3A_12, %dot_general3A_19, %dot_general3A_20 {dimension_numbers = #tpu.dot_dimension_numbers<[1], [0], [0], [1], [0, 0, 1, 1], [], []>, precision = #tpu.contract_precision<fp32>, transpose_lhs_hint = false} : vector<64x64xf32>, vector<64x1024xf32>, vector<64x1024xf32> -> vector<64x1024xf32>
    %get3A_22 = arith.constant 0 : index
    %get3A_23 = arith.constant 0 : index
    %get3A_24 = vector.load %arg6[%get3A_22, %get3A_23] : memref<1x1024xf32, #tpu.memory_space<vmem>>, vector<1x1024xf32>
    %add3A_25 = vector.broadcast %get3A_24 : vector<1x1024xf32> to vector<64x1024xf32>
    %add3A_26 = arith.addf %dot_general3A_21, %add3A_25 : vector<64x1024xf32>
    %max3A = arith.constant 0.000000e+00 : f32
    %max3A_27 = vector.broadcast %max3A : f32 to vector<64x1024xf32>
    %max3A_28 = arith.maximumf %add3A_26, %max3A_27 : vector<64x1024xf32>
    tpu.wait_dma2 semaphore(%arg16 : memref<!tpu.dma_semaphore, #tpu.memory_space<semaphore_mem>>) src(%arg3 : memref<1024x1024xf32, #tpu.memory_space<hbm>>) dst(%arg13 : memref<1024x1024xf32, #tpu.memory_space<vmem>>)
    %get3A_29 = arith.constant 0 : index
    %get3A_30 = arith.constant 0 : index
    %get3A_31 = vector.load %arg13[%get3A_29, %get3A_30] : memref<1024x1024xf32, #tpu.memory_space<vmem>>, vector<1024x1024xf32>
    %dot_general3A_32 = arith.constant dense<0.000000e+00> : vector<64x1024xf32>
    %dot_general3A_33 = tpu.matmul %max3A_28, %get3A_31, %dot_general3A_32 {dimension_numbers = #tpu.dot_dimension_numbers<[1], [0], [0], [1], [0, 0, 1, 1], [], []>, precision = #tpu.contract_precision<fp32>, transpose_lhs_hint = false} : vector<64x1024xf32>, vector<1024x1024xf32>, vector<64x1024xf32> -> vector<64x1024xf32>
    %dot_general3A_34 = arith.constant dense<0.000000e+00> : vector<64x1024xf32>
    %dot_general3A_35 = tpu.matmul %mul3A_12, %dot_general3A_33, %dot_general3A_34 {dimension_numbers = #tpu.dot_dimension_numbers<[1], [0], [0], [1], [0, 0, 1, 1], [], []>, precision = #tpu.contract_precision<fp32>, transpose_lhs_hint = false} : vector<64x64xf32>, vector<64x1024xf32>, vector<64x1024xf32> -> vector<64x1024xf32>
    %get3A_36 = arith.constant 0 : index
    %get3A_37 = arith.constant 0 : index
    %get3A_38 = vector.load %arg7[%get3A_36, %get3A_37] : memref<1x1024xf32, #tpu.memory_space<vmem>>, vector<1x1024xf32>
    %add3A_39 = vector.broadcast %get3A_38 : vector<1x1024xf32> to vector<64x1024xf32>
    %add3A_40 = arith.addf %dot_general3A_35, %add3A_39 : vector<64x1024xf32>
    %max3A_41 = arith.constant 0.000000e+00 : f32
    %max3A_42 = vector.broadcast %max3A_41 : f32 to vector<64x1024xf32>
    %max3A_43 = arith.maximumf %add3A_40, %max3A_42 : vector<64x1024xf32>
    tpu.wait_dma2 semaphore(%arg17 : memref<!tpu.dma_semaphore, #tpu.memory_space<semaphore_mem>>) src(%arg4 : memref<1024x1024xf32, #tpu.memory_space<hbm>>) dst(%arg14 : memref<1024x1024xf32, #tpu.memory_space<vmem>>)
    %get3A_44 = arith.constant 0 : index
    %get3A_45 = arith.constant 0 : index
    %get3A_46 = vector.load %arg14[%get3A_44, %get3A_45] : memref<1024x1024xf32, #tpu.memory_space<vmem>>, vector<1024x1024xf32>
    %dot_general3A_47 = arith.constant dense<0.000000e+00> : vector<64x1024xf32>
    %dot_general3A_48 = tpu.matmul %max3A_43, %get3A_46, %dot_general3A_47 {dimension_numbers = #tpu.dot_dimension_numbers<[1], [0], [0], [1], [0, 0, 1, 1], [], []>, precision = #tpu.contract_precision<fp32>, transpose_lhs_hint = false} : vector<64x1024xf32>, vector<1024x1024xf32>, vector<64x1024xf32> -> vector<64x1024xf32>
    %dot_general3A_49 = arith.constant dense<0.000000e+00> : vector<64x1024xf32>
    %dot_general3A_50 = tpu.matmul %mul3A_12, %dot_general3A_48, %dot_general3A_49 {dimension_numbers = #tpu.dot_dimension_numbers<[1], [0], [0], [1], [0, 0, 1, 1], [], []>, precision = #tpu.contract_precision<fp32>, transpose_lhs_hint = false} : vector<64x64xf32>, vector<64x1024xf32>, vector<64x1024xf32> -> vector<64x1024xf32>
    %get3A_51 = arith.constant 0 : index
    %get3A_52 = arith.constant 0 : index
    %get3A_53 = vector.load %arg8[%get3A_51, %get3A_52] : memref<1x1024xf32, #tpu.memory_space<vmem>>, vector<1x1024xf32>
    %add3A_54 = vector.broadcast %get3A_53 : vector<1x1024xf32> to vector<64x1024xf32>
    %add3A_55 = arith.addf %dot_general3A_50, %add3A_54 : vector<64x1024xf32>
    %max3A_56 = arith.constant 0.000000e+00 : f32
    %max3A_57 = vector.broadcast %max3A_56 : f32 to vector<64x1024xf32>
    %max3A_58 = arith.maximumf %add3A_55, %max3A_57 : vector<64x1024xf32>
    tpu.wait_dma2 semaphore(%arg18 : memref<!tpu.dma_semaphore, #tpu.memory_space<semaphore_mem>>) src(%arg5 : memref<1024x1024xf32, #tpu.memory_space<hbm>>) dst(%arg15 : memref<1024x1024xf32, #tpu.memory_space<vmem>>)
    %get3A_59 = arith.constant 0 : index
    %get3A_60 = arith.constant 0 : index
    %get3A_61 = vector.load %arg15[%get3A_59, %get3A_60] : memref<1024x1024xf32, #tpu.memory_space<vmem>>, vector<1024x1024xf32>
    %dot_general3A_62 = arith.constant dense<0.000000e+00> : vector<64x1024xf32>
    %dot_general3A_63 = tpu.matmul %max3A_58, %get3A_61, %dot_general3A_62 {dimension_numbers = #tpu.dot_dimension_numbers<[1], [0], [0], [1], [0, 0, 1, 1], [], []>, precision = #tpu.contract_precision<fp32>, transpose_lhs_hint = false} : vector<64x1024xf32>, vector<1024x1024xf32>, vector<64x1024xf32> -> vector<64x1024xf32>
    %dot_general3A_64 = arith.constant dense<0.000000e+00> : vector<64x1024xf32>
    %dot_general3A_65 = tpu.matmul %mul3A_12, %dot_general3A_63, %dot_general3A_64 {dimension_numbers = #tpu.dot_dimension_numbers<[1], [0], [0], [1], [0, 0, 1, 1], [], []>, precision = #tpu.contract_precision<fp32>, transpose_lhs_hint = false} : vector<64x64xf32>, vector<64x1024xf32>, vector<64x1024xf32> -> vector<64x1024xf32>
    %get3A_66 = arith.constant 0 : index
    %get3A_67 = arith.constant 0 : index
    %get3A_68 = vector.load %arg9[%get3A_66, %get3A_67] : memref<1x1024xf32, #tpu.memory_space<vmem>>, vector<1x1024xf32>
    %add3A_69 = vector.broadcast %get3A_68 : vector<1x1024xf32> to vector<64x1024xf32>
    %add3A_70 = arith.addf %dot_general3A_65, %add3A_69 : vector<64x1024xf32>
    %max3A_71 = arith.constant 0.000000e+00 : f32
    %max3A_72 = vector.broadcast %max3A_71 : f32 to vector<64x1024xf32>
    %max3A_73 = arith.maximumf %add3A_70, %max3A_72 : vector<64x1024xf32>
    %get3A_74 = arith.constant 0 : index
    %get3A_75 = arith.constant 0 : index
    %get3A_76 = vector.load %arg10[%get3A_74, %get3A_75] : memref<64x64xf32, #tpu.memory_space<vmem>>, vector<64x64xf32>
    %convert_element_type3A_77 = arith.truncf %get3A_76 : vector<64x64xf32> to vector<64x64xbf16>
    %convert_element_type3A_78 = arith.extf %convert_element_type3A_77 : vector<64x64xbf16> to vector<64x64xf32>
    %convert_element_type3A_79 = arith.truncf %max3A_28 : vector<64x1024xf32> to vector<64x1024xbf16>
    %convert_element_type3A_80 = arith.truncf %max3A_43 : vector<64x1024xf32> to vector<64x1024xbf16>
    %convert_element_type3A_81 = arith.truncf %max3A_58 : vector<64x1024xf32> to vector<64x1024xbf16>
    %convert_element_type3A_82 = arith.truncf %max3A_73 : vector<64x1024xf32> to vector<64x1024xbf16>
    %dot_general3A_83 = arith.constant dense<0.000000e+00> : vector<64x64xf32>
    %dot_general3A_84 = tpu.matmul %convert_element_type3A_79, %convert_element_type3A_79, %dot_general3A_83 {dimension_numbers = #tpu.dot_dimension_numbers<[1], [1], [0], [0], [0, 0, 1, 0], [], []>, transpose_lhs_hint = false} : vector<64x1024xbf16>, vector<64x1024xbf16>, vector<64x64xf32> -> vector<64x64xf32>
    %dot_general3A_85 = arith.constant dense<0.000000e+00> : vector<64x64xf32>
    %dot_general3A_86 = tpu.matmul %convert_element_type3A_79, %convert_element_type3A_80, %dot_general3A_85 {dimension_numbers = #tpu.dot_dimension_numbers<[1], [1], [0], [0], [0, 0, 1, 0], [], []>, transpose_lhs_hint = false} : vector<64x1024xbf16>, vector<64x1024xbf16>, vector<64x64xf32> -> vector<64x64xf32>
    %dot_general3A_87 = arith.constant dense<0.000000e+00> : vector<64x64xf32>
    %dot_general3A_88 = tpu.matmul %convert_element_type3A_79, %convert_element_type3A_81, %dot_general3A_87 {dimension_numbers = #tpu.dot_dimension_numbers<[1], [1], [0], [0], [0, 0, 1, 0], [], []>, transpose_lhs_hint = false} : vector<64x1024xbf16>, vector<64x1024xbf16>, vector<64x64xf32> -> vector<64x64xf32>
    %dot_general3A_89 = arith.constant dense<0.000000e+00> : vector<64x64xf32>
    %dot_general3A_90 = tpu.matmul %convert_element_type3A_79, %convert_element_type3A_82, %dot_general3A_89 {dimension_numbers = #tpu.dot_dimension_numbers<[1], [1], [0], [0], [0, 0, 1, 0], [], []>, transpose_lhs_hint = false} : vector<64x1024xbf16>, vector<64x1024xbf16>, vector<64x64xf32> -> vector<64x64xf32>
    %dot_general3A_91 = arith.constant dense<0.000000e+00> : vector<64x64xf32>
    %dot_general3A_92 = tpu.matmul %convert_element_type3A_80, %convert_element_type3A_79, %dot_general3A_91 {dimension_numbers = #tpu.dot_dimension_numbers<[1], [1], [0], [0], [0, 0, 1, 0], [], []>, transpose_lhs_hint = false} : vector<64x1024xbf16>, vector<64x1024xbf16>, vector<64x64xf32> -> vector<64x64xf32>
    %dot_general3A_93 = arith.constant dense<0.000000e+00> : vector<64x64xf32>
    %dot_general3A_94 = tpu.matmul %convert_element_type3A_80, %convert_element_type3A_80, %dot_general3A_93 {dimension_numbers = #tpu.dot_dimension_numbers<[1], [1], [0], [0], [0, 0, 1, 0], [], []>, transpose_lhs_hint = false} : vector<64x1024xbf16>, vector<64x1024xbf16>, vector<64x64xf32> -> vector<64x64xf32>
    %dot_general3A_95 = arith.constant dense<0.000000e+00> : vector<64x64xf32>
    %dot_general3A_96 = tpu.matmul %convert_element_type3A_80, %convert_element_type3A_81, %dot_general3A_95 {dimension_numbers = #tpu.dot_dimension_numbers<[1], [1], [0], [0], [0, 0, 1, 0], [], []>, transpose_lhs_hint = false} : vector<64x1024xbf16>, vector<64x1024xbf16>, vector<64x64xf32> -> vector<64x64xf32>
    %dot_general3A_97 = arith.constant dense<0.000000e+00> : vector<64x64xf32>
    %dot_general3A_98 = tpu.matmul %convert_element_type3A_80, %convert_element_type3A_82, %dot_general3A_97 {dimension_numbers = #tpu.dot_dimension_numbers<[1], [1], [0], [0], [0, 0, 1, 0], [], []>, transpose_lhs_hint = false} : vector<64x1024xbf16>, vector<64x1024xbf16>, vector<64x64xf32> -> vector<64x64xf32>
    %dot_general3A_99 = arith.constant dense<0.000000e+00> : vector<64x64xf32>
    %dot_general3A_100 = tpu.matmul %convert_element_type3A_81, %convert_element_type3A_79, %dot_general3A_99 {dimension_numbers = #tpu.dot_dimension_numbers<[1], [1], [0], [0], [0, 0, 1, 0], [], []>, transpose_lhs_hint = false} : vector<64x1024xbf16>, vector<64x1024xbf16>, vector<64x64xf32> -> vector<64x64xf32>
    %dot_general3A_101 = arith.constant dense<0.000000e+00> : vector<64x64xf32>
    %dot_general3A_102 = tpu.matmul %convert_element_type3A_81, %convert_element_type3A_80, %dot_general3A_101 {dimension_numbers = #tpu.dot_dimension_numbers<[1], [1], [0], [0], [0, 0, 1, 0], [], []>, transpose_lhs_hint = false} : vector<64x1024xbf16>, vector<64x1024xbf16>, vector<64x64xf32> -> vector<64x64xf32>
    %dot_general3A_103 = arith.constant dense<0.000000e+00> : vector<64x64xf32>
    %dot_general3A_104 = tpu.matmul %convert_element_type3A_81, %convert_element_type3A_81, %dot_general3A_103 {dimension_numbers = #tpu.dot_dimension_numbers<[1], [1], [0], [0], [0, 0, 1, 0], [], []>, transpose_lhs_hint = false} : vector<64x1024xbf16>, vector<64x1024xbf16>, vector<64x64xf32> -> vector<64x64xf32>
    %dot_general3A_105 = arith.constant dense<0.000000e+00> : vector<64x64xf32>
    %dot_general3A_106 = tpu.matmul %convert_element_type3A_81, %convert_element_type3A_82, %dot_general3A_105 {dimension_numbers = #tpu.dot_dimension_numbers<[1], [1], [0], [0], [0, 0, 1, 0], [], []>, transpose_lhs_hint = false} : vector<64x1024xbf16>, vector<64x1024xbf16>, vector<64x64xf32> -> vector<64x64xf32>
    %dot_general3A_107 = arith.constant dense<0.000000e+00> : vector<64x64xf32>
    %dot_general3A_108 = tpu.matmul %convert_element_type3A_82, %convert_element_type3A_79, %dot_general3A_107 {dimension_numbers = #tpu.dot_dimension_numbers<[1], [1], [0], [0], [0, 0, 1, 0], [], []>, transpose_lhs_hint = false} : vector<64x1024xbf16>, vector<64x1024xbf16>, vector<64x64xf32> -> vector<64x64xf32>
    %dot_general3A_109 = arith.constant dense<0.000000e+00> : vector<64x64xf32>
    %dot_general3A_110 = tpu.matmul %convert_element_type3A_82, %convert_element_type3A_80, %dot_general3A_109 {dimension_numbers = #tpu.dot_dimension_numbers<[1], [1], [0], [0], [0, 0, 1, 0], [], []>, transpose_lhs_hint = false} : vector<64x1024xbf16>, vector<64x1024xbf16>, vector<64x64xf32> -> vector<64x64xf32>
    %dot_general3A_111 = arith.constant dense<0.000000e+00> : vector<64x64xf32>
    %dot_general3A_112 = tpu.matmul %convert_element_type3A_82, %convert_element_type3A_81, %dot_general3A_111 {dimension_numbers = #tpu.dot_dimension_numbers<[1], [1], [0], [0], [0, 0, 1, 0], [], []>, transpose_lhs_hint = false} : vector<64x1024xbf16>, vector<64x1024xbf16>, vector<64x64xf32> -> vector<64x64xf32>
    %dot_general3A_113 = arith.constant dense<0.000000e+00> : vector<64x64xf32>
    %dot_general3A_114 = tpu.matmul %convert_element_type3A_82, %convert_element_type3A_82, %dot_general3A_113 {dimension_numbers = #tpu.dot_dimension_numbers<[1], [1], [0], [0], [0, 0, 1, 0], [], []>, transpose_lhs_hint = false} : vector<64x1024xbf16>, vector<64x1024xbf16>, vector<64x64xf32> -> vector<64x64xf32>
    %get3A_115 = arith.constant 0 : index
    %get3A_116 = arith.constant 0 : index
    %get3A_117 = vector.load %arg11[%get3A_115, %get3A_116] : memref<1x1xf32, #tpu.memory_space<vmem>>, vector<1x1xf32>
    %get3A_118 = vector.extract %get3A_117[0, 0] : f32 from vector<1x1xf32>
    %broadcast_in_dim3A_119 = arith.constant 0.000000e+00 : f32
    %broadcast_in_dim3A_120 = vector.broadcast %broadcast_in_dim3A_119 : f32 to vector<8x64xf32>
    %slice3A_121 = vector.extract_strided_slice %get3A_1 {offsets = [32, 0], sizes = [16, 128], strides = [1, 1]} : vector<160x128xf32> to vector<16x128xf32>
    %slice3A_122 = vector.extract_strided_slice %slice3A_121 {offsets = [0, 0], sizes = [16, 64], strides = [1, 1]} : vector<16x128xf32> to vector<16x64xf32>
    %slice3A_123 = vector.extract_strided_slice %slice3A_121 {offsets = [0, 64], sizes = [16, 64], strides = [1, 1]} : vector<16x128xf32> to vector<16x64xf32>
    %concatenate3A_124 = tpu.concatenate %slice3A_122, %slice3A_123 in 0 : vector<16x64xf32>, vector<16x64xf32> -> vector<32x64xf32>
    %dot_general3A_125 = arith.constant dense<0.000000e+00> : vector<32x64xf32>
    %dot_general3A_126 = tpu.matmul %concatenate3A_124, %convert_element_type3A_78, %dot_general3A_125 {dimension_numbers = #tpu.dot_dimension_numbers<[1], [0], [0], [1], [0, 0, 1, 1], [], []>, precision = #tpu.contract_precision<fp32>, transpose_lhs_hint = false} : vector<32x64xf32>, vector<64x64xf32>, vector<32x64xf32> -> vector<32x64xf32>
    %slice3A_127 = vector.extract_strided_slice %dot_general3A_126 {offsets = [0, 0], sizes = [8, 64], strides = [1, 1]} : vector<32x64xf32> to vector<8x64xf32>
    %dot_general3A_128 = arith.constant dense<0.000000e+00> : vector<8x64xf32>
    %dot_general3A_129 = tpu.matmul %slice3A_127, %dot_general3A_84, %dot_general3A_128 {dimension_numbers = #tpu.dot_dimension_numbers<[1], [1], [0], [0], [0, 0, 1, 0], [], []>, precision = #tpu.contract_precision<fp32>, transpose_lhs_hint = false} : vector<8x64xf32>, vector<64x64xf32>, vector<8x64xf32> -> vector<8x64xf32>
    %add3A_130 = arith.addf %broadcast_in_dim3A_120, %dot_general3A_129 : vector<8x64xf32>
    %slice3A_131 = vector.extract_strided_slice %dot_general3A_126 {offsets = [8, 0], sizes = [8, 64], strides = [1, 1]} : vector<32x64xf32> to vector<8x64xf32>
    %dot_general3A_132 = arith.constant dense<0.000000e+00> : vector<8x64xf32>
    %dot_general3A_133 = tpu.matmul %slice3A_131, %dot_general3A_92, %dot_general3A_132 {dimension_numbers = #tpu.dot_dimension_numbers<[1], [1], [0], [0], [0, 0, 1, 0], [], []>, precision = #tpu.contract_precision<fp32>, transpose_lhs_hint = false} : vector<8x64xf32>, vector<64x64xf32>, vector<8x64xf32> -> vector<8x64xf32>
    %add3A_134 = arith.addf %add3A_130, %dot_general3A_133 : vector<8x64xf32>
    %slice3A_135 = vector.extract_strided_slice %dot_general3A_126 {offsets = [16, 0], sizes = [8, 64], strides = [1, 1]} : vector<32x64xf32> to vector<8x64xf32>
    %dot_general3A_136 = arith.constant dense<0.000000e+00> : vector<8x64xf32>
    %dot_general3A_137 = tpu.matmul %slice3A_135, %dot_general3A_100, %dot_general3A_136 {dimension_numbers = #tpu.dot_dimension_numbers<[1], [1], [0], [0], [0, 0, 1, 0], [], []>, precision = #tpu.contract_precision<fp32>, transpose_lhs_hint = false} : vector<8x64xf32>, vector<64x64xf32>, vector<8x64xf32> -> vector<8x64xf32>
    %add3A_138 = arith.addf %add3A_134, %dot_general3A_137 : vector<8x64xf32>
    %slice3A_139 = vector.extract_strided_slice %dot_general3A_126 {offsets = [24, 0], sizes = [8, 64], strides = [1, 1]} : vector<32x64xf32> to vector<8x64xf32>
    %dot_general3A_140 = arith.constant dense<0.000000e+00> : vector<8x64xf32>
    %dot_general3A_141 = tpu.matmul %slice3A_139, %dot_general3A_108, %dot_general3A_140 {dimension_numbers = #tpu.dot_dimension_numbers<[1], [1], [0], [0], [0, 0, 1, 0], [], []>, precision = #tpu.contract_precision<fp32>, transpose_lhs_hint = false} : vector<8x64xf32>, vector<64x64xf32>, vector<8x64xf32> -> vector<8x64xf32>
    %add3A_142 = arith.addf %add3A_138, %dot_general3A_141 : vector<8x64xf32>
    %slice3A_143 = vector.extract_strided_slice %get3A_1 {offsets = [48, 0], sizes = [16, 128], strides = [1, 1]} : vector<160x128xf32> to vector<16x128xf32>
    %slice3A_144 = vector.extract_strided_slice %slice3A_143 {offsets = [0, 0], sizes = [16, 64], strides = [1, 1]} : vector<16x128xf32> to vector<16x64xf32>
    %slice3A_145 = vector.extract_strided_slice %slice3A_143 {offsets = [0, 64], sizes = [16, 64], strides = [1, 1]} : vector<16x128xf32> to vector<16x64xf32>
    %concatenate3A_146 = tpu.concatenate %slice3A_144, %slice3A_145 in 0 : vector<16x64xf32>, vector<16x64xf32> -> vector<32x64xf32>
    %dot_general3A_147 = arith.constant dense<0.000000e+00> : vector<32x64xf32>
    %dot_general3A_148 = tpu.matmul %concatenate3A_146, %convert_element_type3A_78, %dot_general3A_147 {dimension_numbers = #tpu.dot_dimension_numbers<[1], [0], [0], [1], [0, 0, 1, 1], [], []>, precision = #tpu.contract_precision<fp32>, transpose_lhs_hint = false} : vector<32x64xf32>, vector<64x64xf32>, vector<32x64xf32> -> vector<32x64xf32>
    %slice3A_149 = vector.extract_strided_slice %dot_general3A_148 {offsets = [0, 0], sizes = [8, 64], strides = [1, 1]} : vector<32x64xf32> to vector<8x64xf32>
    %dot_general3A_150 = arith.constant dense<0.000000e+00> : vector<8x64xf32>
    %dot_general3A_151 = tpu.matmul %slice3A_149, %dot_general3A_86, %dot_general3A_150 {dimension_numbers = #tpu.dot_dimension_numbers<[1], [1], [0], [0], [0, 0, 1, 0], [], []>, precision = #tpu.contract_precision<fp32>, transpose_lhs_hint = false} : vector<8x64xf32>, vector<64x64xf32>, vector<8x64xf32> -> vector<8x64xf32>
    %add3A_152 = arith.addf %add3A_142, %dot_general3A_151 : vector<8x64xf32>
    %slice3A_153 = vector.extract_strided_slice %dot_general3A_148 {offsets = [8, 0], sizes = [8, 64], strides = [1, 1]} : vector<32x64xf32> to vector<8x64xf32>
    %dot_general3A_154 = arith.constant dense<0.000000e+00> : vector<8x64xf32>
    %dot_general3A_155 = tpu.matmul %slice3A_153, %dot_general3A_94, %dot_general3A_154 {dimension_numbers = #tpu.dot_dimension_numbers<[1], [1], [0], [0], [0, 0, 1, 0], [], []>, precision = #tpu.contract_precision<fp32>, transpose_lhs_hint = false} : vector<8x64xf32>, vector<64x64xf32>, vector<8x64xf32> -> vector<8x64xf32>
    %add3A_156 = arith.addf %add3A_152, %dot_general3A_155 : vector<8x64xf32>
    %slice3A_157 = vector.extract_strided_slice %dot_general3A_148 {offsets = [16, 0], sizes = [8, 64], strides = [1, 1]} : vector<32x64xf32> to vector<8x64xf32>
    %dot_general3A_158 = arith.constant dense<0.000000e+00> : vector<8x64xf32>
    %dot_general3A_159 = tpu.matmul %slice3A_157, %dot_general3A_102, %dot_general3A_158 {dimension_numbers = #tpu.dot_dimension_numbers<[1], [1], [0], [0], [0, 0, 1, 0], [], []>, precision = #tpu.contract_precision<fp32>, transpose_lhs_hint = false} : vector<8x64xf32>, vector<64x64xf32>, vector<8x64xf32> -> vector<8x64xf32>
    %add3A_160 = arith.addf %add3A_156, %dot_general3A_159 : vector<8x64xf32>
    %slice3A_161 = vector.extract_strided_slice %dot_general3A_148 {offsets = [24, 0], sizes = [8, 64], strides = [1, 1]} : vector<32x64xf32> to vector<8x64xf32>
    %dot_general3A_162 = arith.constant dense<0.000000e+00> : vector<8x64xf32>
    %dot_general3A_163 = tpu.matmul %slice3A_161, %dot_general3A_110, %dot_general3A_162 {dimension_numbers = #tpu.dot_dimension_numbers<[1], [1], [0], [0], [0, 0, 1, 0], [], []>, precision = #tpu.contract_precision<fp32>, transpose_lhs_hint = false} : vector<8x64xf32>, vector<64x64xf32>, vector<8x64xf32> -> vector<8x64xf32>
    %add3A_164 = arith.addf %add3A_160, %dot_general3A_163 : vector<8x64xf32>
    %slice3A_165 = vector.extract_strided_slice %get3A_1 {offsets = [64, 0], sizes = [16, 128], strides = [1, 1]} : vector<160x128xf32> to vector<16x128xf32>
    %slice3A_166 = vector.extract_strided_slice %slice3A_165 {offsets = [0, 0], sizes = [16, 64], strides = [1, 1]} : vector<16x128xf32> to vector<16x64xf32>
    %slice3A_167 = vector.extract_strided_slice %slice3A_165 {offsets = [0, 64], sizes = [16, 64], strides = [1, 1]} : vector<16x128xf32> to vector<16x64xf32>
    %concatenate3A_168 = tpu.concatenate %slice3A_166, %slice3A_167 in 0 : vector<16x64xf32>, vector<16x64xf32> -> vector<32x64xf32>
    %dot_general3A_169 = arith.constant dense<0.000000e+00> : vector<32x64xf32>
    %dot_general3A_170 = tpu.matmul %concatenate3A_168, %convert_element_type3A_78, %dot_general3A_169 {dimension_numbers = #tpu.dot_dimension_numbers<[1], [0], [0], [1], [0, 0, 1, 1], [], []>, precision = #tpu.contract_precision<fp32>, transpose_lhs_hint = false} : vector<32x64xf32>, vector<64x64xf32>, vector<32x64xf32> -> vector<32x64xf32>
    %slice3A_171 = vector.extract_strided_slice %dot_general3A_170 {offsets = [0, 0], sizes = [8, 64], strides = [1, 1]} : vector<32x64xf32> to vector<8x64xf32>
    %dot_general3A_172 = arith.constant dense<0.000000e+00> : vector<8x64xf32>
    %dot_general3A_173 = tpu.matmul %slice3A_171, %dot_general3A_88, %dot_general3A_172 {dimension_numbers = #tpu.dot_dimension_numbers<[1], [1], [0], [0], [0, 0, 1, 0], [], []>, precision = #tpu.contract_precision<fp32>, transpose_lhs_hint = false} : vector<8x64xf32>, vector<64x64xf32>, vector<8x64xf32> -> vector<8x64xf32>
    %add3A_174 = arith.addf %add3A_164, %dot_general3A_173 : vector<8x64xf32>
    %slice3A_175 = vector.extract_strided_slice %dot_general3A_170 {offsets = [8, 0], sizes = [8, 64], strides = [1, 1]} : vector<32x64xf32> to vector<8x64xf32>
    %dot_general3A_176 = arith.constant dense<0.000000e+00> : vector<8x64xf32>
    %dot_general3A_177 = tpu.matmul %slice3A_175, %dot_general3A_96, %dot_general3A_176 {dimension_numbers = #tpu.dot_dimension_numbers<[1], [1], [0], [0], [0, 0, 1, 0], [], []>, precision = #tpu.contract_precision<fp32>, transpose_lhs_hint = false} : vector<8x64xf32>, vector<64x64xf32>, vector<8x64xf32> -> vector<8x64xf32>
    %add3A_178 = arith.addf %add3A_174, %dot_general3A_177 : vector<8x64xf32>
    %slice3A_179 = vector.extract_strided_slice %dot_general3A_170 {offsets = [16, 0], sizes = [8, 64], strides = [1, 1]} : vector<32x64xf32> to vector<8x64xf32>
    %dot_general3A_180 = arith.constant dense<0.000000e+00> : vector<8x64xf32>
    %dot_general3A_181 = tpu.matmul %slice3A_179, %dot_general3A_104, %dot_general3A_180 {dimension_numbers = #tpu.dot_dimension_numbers<[1], [1], [0], [0], [0, 0, 1, 0], [], []>, precision = #tpu.contract_precision<fp32>, transpose_lhs_hint = false} : vector<8x64xf32>, vector<64x64xf32>, vector<8x64xf32> -> vector<8x64xf32>
    %add3A_182 = arith.addf %add3A_178, %dot_general3A_181 : vector<8x64xf32>
    %slice3A_183 = vector.extract_strided_slice %dot_general3A_170 {offsets = [24, 0], sizes = [8, 64], strides = [1, 1]} : vector<32x64xf32> to vector<8x64xf32>
    %dot_general3A_184 = arith.constant dense<0.000000e+00> : vector<8x64xf32>
    %dot_general3A_185 = tpu.matmul %slice3A_183, %dot_general3A_112, %dot_general3A_184 {dimension_numbers = #tpu.dot_dimension_numbers<[1], [1], [0], [0], [0, 0, 1, 0], [], []>, precision = #tpu.contract_precision<fp32>, transpose_lhs_hint = false} : vector<8x64xf32>, vector<64x64xf32>, vector<8x64xf32> -> vector<8x64xf32>
    %add3A_186 = arith.addf %add3A_182, %dot_general3A_185 : vector<8x64xf32>
    %slice3A_187 = vector.extract_strided_slice %get3A_1 {offsets = [80, 0], sizes = [16, 128], strides = [1, 1]} : vector<160x128xf32> to vector<16x128xf32>
    %slice3A_188 = vector.extract_strided_slice %slice3A_187 {offsets = [0, 0], sizes = [16, 64], strides = [1, 1]} : vector<16x128xf32> to vector<16x64xf32>
    %slice3A_189 = vector.extract_strided_slice %slice3A_187 {offsets = [0, 64], sizes = [16, 64], strides = [1, 1]} : vector<16x128xf32> to vector<16x64xf32>
    %concatenate3A_190 = tpu.concatenate %slice3A_188, %slice3A_189 in 0 : vector<16x64xf32>, vector<16x64xf32> -> vector<32x64xf32>
    %dot_general3A_191 = arith.constant dense<0.000000e+00> : vector<32x64xf32>
    %dot_general3A_192 = tpu.matmul %concatenate3A_190, %convert_element_type3A_78, %dot_general3A_191 {dimension_numbers = #tpu.dot_dimension_numbers<[1], [0], [0], [1], [0, 0, 1, 1], [], []>, precision = #tpu.contract_precision<fp32>, transpose_lhs_hint = false} : vector<32x64xf32>, vector<64x64xf32>, vector<32x64xf32> -> vector<32x64xf32>
    %slice3A_193 = vector.extract_strided_slice %dot_general3A_192 {offsets = [0, 0], sizes = [8, 64], strides = [1, 1]} : vector<32x64xf32> to vector<8x64xf32>
    %dot_general3A_194 = arith.constant dense<0.000000e+00> : vector<8x64xf32>
    %dot_general3A_195 = tpu.matmul %slice3A_193, %dot_general3A_90, %dot_general3A_194 {dimension_numbers = #tpu.dot_dimension_numbers<[1], [1], [0], [0], [0, 0, 1, 0], [], []>, precision = #tpu.contract_precision<fp32>, transpose_lhs_hint = false} : vector<8x64xf32>, vector<64x64xf32>, vector<8x64xf32> -> vector<8x64xf32>
    %add3A_196 = arith.addf %add3A_186, %dot_general3A_195 : vector<8x64xf32>
    %slice3A_197 = vector.extract_strided_slice %dot_general3A_192 {offsets = [8, 0], sizes = [8, 64], strides = [1, 1]} : vector<32x64xf32> to vector<8x64xf32>
    %dot_general3A_198 = arith.constant dense<0.000000e+00> : vector<8x64xf32>
    %dot_general3A_199 = tpu.matmul %slice3A_197, %dot_general3A_98, %dot_general3A_198 {dimension_numbers = #tpu.dot_dimension_numbers<[1], [1], [0], [0], [0, 0, 1, 0], [], []>, precision = #tpu.contract_precision<fp32>, transpose_lhs_hint = false} : vector<8x64xf32>, vector<64x64xf32>, vector<8x64xf32> -> vector<8x64xf32>
    %add3A_200 = arith.addf %add3A_196, %dot_general3A_199 : vector<8x64xf32>
    %slice3A_201 = vector.extract_strided_slice %dot_general3A_192 {offsets = [16, 0], sizes = [8, 64], strides = [1, 1]} : vector<32x64xf32> to vector<8x64xf32>
    %dot_general3A_202 = arith.constant dense<0.000000e+00> : vector<8x64xf32>
    %dot_general3A_203 = tpu.matmul %slice3A_201, %dot_general3A_106, %dot_general3A_202 {dimension_numbers = #tpu.dot_dimension_numbers<[1], [1], [0], [0], [0, 0, 1, 0], [], []>, precision = #tpu.contract_precision<fp32>, transpose_lhs_hint = false} : vector<8x64xf32>, vector<64x64xf32>, vector<8x64xf32> -> vector<8x64xf32>
    %add3A_204 = arith.addf %add3A_200, %dot_general3A_203 : vector<8x64xf32>
    %slice3A_205 = vector.extract_strided_slice %dot_general3A_192 {offsets = [24, 0], sizes = [8, 64], strides = [1, 1]} : vector<32x64xf32> to vector<8x64xf32>
    %dot_general3A_206 = arith.constant dense<0.000000e+00> : vector<8x64xf32>
    %dot_general3A_207 = tpu.matmul %slice3A_205, %dot_general3A_114, %dot_general3A_206 {dimension_numbers = #tpu.dot_dimension_numbers<[1], [1], [0], [0], [0, 0, 1, 0], [], []>, precision = #tpu.contract_precision<fp32>, transpose_lhs_hint = false} : vector<8x64xf32>, vector<64x64xf32>, vector<8x64xf32> -> vector<8x64xf32>
    %add3A_208 = arith.addf %add3A_204, %dot_general3A_207 : vector<8x64xf32>
    %add3A_209 = vector.broadcast %get3A_118 : f32 to vector<8x64xf32>
    %add3A_210 = arith.addf %add3A_208, %add3A_209 : vector<8x64xf32>
    %broadcast_in_dim3A_211 = arith.constant 0.000000e+00 : f32
    %broadcast_in_dim3A_212 = vector.broadcast %broadcast_in_dim3A_211 : f32 to vector<8x64xf32>
    %slice3A_213 = vector.extract_strided_slice %get3A_1 {offsets = [96, 0], sizes = [16, 128], strides = [1, 1]} : vector<160x128xf32> to vector<16x128xf32>
    %slice3A_214 = vector.extract_strided_slice %slice3A_213 {offsets = [0, 0], sizes = [16, 64], strides = [1, 1]} : vector<16x128xf32> to vector<16x64xf32>
    %slice3A_215 = vector.extract_strided_slice %slice3A_213 {offsets = [0, 64], sizes = [16, 64], strides = [1, 1]} : vector<16x128xf32> to vector<16x64xf32>
    %concatenate3A_216 = tpu.concatenate %slice3A_214, %slice3A_215 in 0 : vector<16x64xf32>, vector<16x64xf32> -> vector<32x64xf32>
    %dot_general3A_217 = arith.constant dense<0.000000e+00> : vector<32x64xf32>
    %dot_general3A_218 = tpu.matmul %concatenate3A_216, %convert_element_type3A_78, %dot_general3A_217 {dimension_numbers = #tpu.dot_dimension_numbers<[1], [0], [0], [1], [0, 0, 1, 1], [], []>, precision = #tpu.contract_precision<fp32>, transpose_lhs_hint = false} : vector<32x64xf32>, vector<64x64xf32>, vector<32x64xf32> -> vector<32x64xf32>
    %slice3A_219 = vector.extract_strided_slice %dot_general3A_218 {offsets = [0, 0], sizes = [8, 64], strides = [1, 1]} : vector<32x64xf32> to vector<8x64xf32>
    %dot_general3A_220 = arith.constant dense<0.000000e+00> : vector<8x64xf32>
    %dot_general3A_221 = tpu.matmul %slice3A_219, %dot_general3A_84, %dot_general3A_220 {dimension_numbers = #tpu.dot_dimension_numbers<[1], [1], [0], [0], [0, 0, 1, 0], [], []>, precision = #tpu.contract_precision<fp32>, transpose_lhs_hint = false} : vector<8x64xf32>, vector<64x64xf32>, vector<8x64xf32> -> vector<8x64xf32>
    %add3A_222 = arith.addf %broadcast_in_dim3A_212, %dot_general3A_221 : vector<8x64xf32>
    %slice3A_223 = vector.extract_strided_slice %dot_general3A_218 {offsets = [8, 0], sizes = [8, 64], strides = [1, 1]} : vector<32x64xf32> to vector<8x64xf32>
    %dot_general3A_224 = arith.constant dense<0.000000e+00> : vector<8x64xf32>
    %dot_general3A_225 = tpu.matmul %slice3A_223, %dot_general3A_92, %dot_general3A_224 {dimension_numbers = #tpu.dot_dimension_numbers<[1], [1], [0], [0], [0, 0, 1, 0], [], []>, precision = #tpu.contract_precision<fp32>, transpose_lhs_hint = false} : vector<8x64xf32>, vector<64x64xf32>, vector<8x64xf32> -> vector<8x64xf32>
    %add3A_226 = arith.addf %add3A_222, %dot_general3A_225 : vector<8x64xf32>
    %slice3A_227 = vector.extract_strided_slice %dot_general3A_218 {offsets = [16, 0], sizes = [8, 64], strides = [1, 1]} : vector<32x64xf32> to vector<8x64xf32>
    %dot_general3A_228 = arith.constant dense<0.000000e+00> : vector<8x64xf32>
    %dot_general3A_229 = tpu.matmul %slice3A_227, %dot_general3A_100, %dot_general3A_228 {dimension_numbers = #tpu.dot_dimension_numbers<[1], [1], [0], [0], [0, 0, 1, 0], [], []>, precision = #tpu.contract_precision<fp32>, transpose_lhs_hint = false} : vector<8x64xf32>, vector<64x64xf32>, vector<8x64xf32> -> vector<8x64xf32>
    %add3A_230 = arith.addf %add3A_226, %dot_general3A_229 : vector<8x64xf32>
    %slice3A_231 = vector.extract_strided_slice %dot_general3A_218 {offsets = [24, 0], sizes = [8, 64], strides = [1, 1]} : vector<32x64xf32> to vector<8x64xf32>
    %dot_general3A_232 = arith.constant dense<0.000000e+00> : vector<8x64xf32>
    %dot_general3A_233 = tpu.matmul %slice3A_231, %dot_general3A_108, %dot_general3A_232 {dimension_numbers = #tpu.dot_dimension_numbers<[1], [1], [0], [0], [0, 0, 1, 0], [], []>, precision = #tpu.contract_precision<fp32>, transpose_lhs_hint = false} : vector<8x64xf32>, vector<64x64xf32>, vector<8x64xf32> -> vector<8x64xf32>
    %add3A_234 = arith.addf %add3A_230, %dot_general3A_233 : vector<8x64xf32>
    %slice3A_235 = vector.extract_strided_slice %get3A_1 {offsets = [112, 0], sizes = [16, 128], strides = [1, 1]} : vector<160x128xf32> to vector<16x128xf32>
    %slice3A_236 = vector.extract_strided_slice %slice3A_235 {offsets = [0, 0], sizes = [16, 64], strides = [1, 1]} : vector<16x128xf32> to vector<16x64xf32>
    %slice3A_237 = vector.extract_strided_slice %slice3A_235 {offsets = [0, 64], sizes = [16, 64], strides = [1, 1]} : vector<16x128xf32> to vector<16x64xf32>
    %concatenate3A_238 = tpu.concatenate %slice3A_236, %slice3A_237 in 0 : vector<16x64xf32>, vector<16x64xf32> -> vector<32x64xf32>
    %dot_general3A_239 = arith.constant dense<0.000000e+00> : vector<32x64xf32>
    %dot_general3A_240 = tpu.matmul %concatenate3A_238, %convert_element_type3A_78, %dot_general3A_239 {dimension_numbers = #tpu.dot_dimension_numbers<[1], [0], [0], [1], [0, 0, 1, 1], [], []>, precision = #tpu.contract_precision<fp32>, transpose_lhs_hint = false} : vector<32x64xf32>, vector<64x64xf32>, vector<32x64xf32> -> vector<32x64xf32>
    %slice3A_241 = vector.extract_strided_slice %dot_general3A_240 {offsets = [0, 0], sizes = [8, 64], strides = [1, 1]} : vector<32x64xf32> to vector<8x64xf32>
    %dot_general3A_242 = arith.constant dense<0.000000e+00> : vector<8x64xf32>
    %dot_general3A_243 = tpu.matmul %slice3A_241, %dot_general3A_86, %dot_general3A_242 {dimension_numbers = #tpu.dot_dimension_numbers<[1], [1], [0], [0], [0, 0, 1, 0], [], []>, precision = #tpu.contract_precision<fp32>, transpose_lhs_hint = false} : vector<8x64xf32>, vector<64x64xf32>, vector<8x64xf32> -> vector<8x64xf32>
    %add3A_244 = arith.addf %add3A_234, %dot_general3A_243 : vector<8x64xf32>
    %slice3A_245 = vector.extract_strided_slice %dot_general3A_240 {offsets = [8, 0], sizes = [8, 64], strides = [1, 1]} : vector<32x64xf32> to vector<8x64xf32>
    %dot_general3A_246 = arith.constant dense<0.000000e+00> : vector<8x64xf32>
    %dot_general3A_247 = tpu.matmul %slice3A_245, %dot_general3A_94, %dot_general3A_246 {dimension_numbers = #tpu.dot_dimension_numbers<[1], [1], [0], [0], [0, 0, 1, 0], [], []>, precision = #tpu.contract_precision<fp32>, transpose_lhs_hint = false} : vector<8x64xf32>, vector<64x64xf32>, vector<8x64xf32> -> vector<8x64xf32>
    %add3A_248 = arith.addf %add3A_244, %dot_general3A_247 : vector<8x64xf32>
    %slice3A_249 = vector.extract_strided_slice %dot_general3A_240 {offsets = [16, 0], sizes = [8, 64], strides = [1, 1]} : vector<32x64xf32> to vector<8x64xf32>
    %dot_general3A_250 = arith.constant dense<0.000000e+00> : vector<8x64xf32>
    %dot_general3A_251 = tpu.matmul %slice3A_249, %dot_general3A_102, %dot_general3A_250 {dimension_numbers = #tpu.dot_dimension_numbers<[1], [1], [0], [0], [0, 0, 1, 0], [], []>, precision = #tpu.contract_precision<fp32>, transpose_lhs_hint = false} : vector<8x64xf32>, vector<64x64xf32>, vector<8x64xf32> -> vector<8x64xf32>
    %add3A_252 = arith.addf %add3A_248, %dot_general3A_251 : vector<8x64xf32>
    %slice3A_253 = vector.extract_strided_slice %dot_general3A_240 {offsets = [24, 0], sizes = [8, 64], strides = [1, 1]} : vector<32x64xf32> to vector<8x64xf32>
    %dot_general3A_254 = arith.constant dense<0.000000e+00> : vector<8x64xf32>
    %dot_general3A_255 = tpu.matmul %slice3A_253, %dot_general3A_110, %dot_general3A_254 {dimension_numbers = #tpu.dot_dimension_numbers<[1], [1], [0], [0], [0, 0, 1, 0], [], []>, precision = #tpu.contract_precision<fp32>, transpose_lhs_hint = false} : vector<8x64xf32>, vector<64x64xf32>, vector<8x64xf32> -> vector<8x64xf32>
    %add3A_256 = arith.addf %add3A_252, %dot_general3A_255 : vector<8x64xf32>
    %slice3A_257 = vector.extract_strided_slice %get3A_1 {offsets = [128, 0], sizes = [16, 128], strides = [1, 1]} : vector<160x128xf32> to vector<16x128xf32>
    %slice3A_258 = vector.extract_strided_slice %slice3A_257 {offsets = [0, 0], sizes = [16, 64], strides = [1, 1]} : vector<16x128xf32> to vector<16x64xf32>
    %slice3A_259 = vector.extract_strided_slice %slice3A_257 {offsets = [0, 64], sizes = [16, 64], strides = [1, 1]} : vector<16x128xf32> to vector<16x64xf32>
    %concatenate3A_260 = tpu.concatenate %slice3A_258, %slice3A_259 in 0 : vector<16x64xf32>, vector<16x64xf32> -> vector<32x64xf32>
    %dot_general3A_261 = arith.constant dense<0.000000e+00> : vector<32x64xf32>
    %dot_general3A_262 = tpu.matmul %concatenate3A_260, %convert_element_type3A_78, %dot_general3A_261 {dimension_numbers = #tpu.dot_dimension_numbers<[1], [0], [0], [1], [0, 0, 1, 1], [], []>, precision = #tpu.contract_precision<fp32>, transpose_lhs_hint = false} : vector<32x64xf32>, vector<64x64xf32>, vector<32x64xf32> -> vector<32x64xf32>
    %slice3A_263 = vector.extract_strided_slice %dot_general3A_262 {offsets = [0, 0], sizes = [8, 64], strides = [1, 1]} : vector<32x64xf32> to vector<8x64xf32>
    %dot_general3A_264 = arith.constant dense<0.000000e+00> : vector<8x64xf32>
    %dot_general3A_265 = tpu.matmul %slice3A_263, %dot_general3A_88, %dot_general3A_264 {dimension_numbers = #tpu.dot_dimension_numbers<[1], [1], [0], [0], [0, 0, 1, 0], [], []>, precision = #tpu.contract_precision<fp32>, transpose_lhs_hint = false} : vector<8x64xf32>, vector<64x64xf32>, vector<8x64xf32> -> vector<8x64xf32>
    %add3A_266 = arith.addf %add3A_256, %dot_general3A_265 : vector<8x64xf32>
    %slice3A_267 = vector.extract_strided_slice %dot_general3A_262 {offsets = [8, 0], sizes = [8, 64], strides = [1, 1]} : vector<32x64xf32> to vector<8x64xf32>
    %dot_general3A_268 = arith.constant dense<0.000000e+00> : vector<8x64xf32>
    %dot_general3A_269 = tpu.matmul %slice3A_267, %dot_general3A_96, %dot_general3A_268 {dimension_numbers = #tpu.dot_dimension_numbers<[1], [1], [0], [0], [0, 0, 1, 0], [], []>, precision = #tpu.contract_precision<fp32>, transpose_lhs_hint = false} : vector<8x64xf32>, vector<64x64xf32>, vector<8x64xf32> -> vector<8x64xf32>
    %add3A_270 = arith.addf %add3A_266, %dot_general3A_269 : vector<8x64xf32>
    %slice3A_271 = vector.extract_strided_slice %dot_general3A_262 {offsets = [16, 0], sizes = [8, 64], strides = [1, 1]} : vector<32x64xf32> to vector<8x64xf32>
    %dot_general3A_272 = arith.constant dense<0.000000e+00> : vector<8x64xf32>
    %dot_general3A_273 = tpu.matmul %slice3A_271, %dot_general3A_104, %dot_general3A_272 {dimension_numbers = #tpu.dot_dimension_numbers<[1], [1], [0], [0], [0, 0, 1, 0], [], []>, precision = #tpu.contract_precision<fp32>, transpose_lhs_hint = false} : vector<8x64xf32>, vector<64x64xf32>, vector<8x64xf32> -> vector<8x64xf32>
    %add3A_274 = arith.addf %add3A_270, %dot_general3A_273 : vector<8x64xf32>
    %slice3A_275 = vector.extract_strided_slice %dot_general3A_262 {offsets = [24, 0], sizes = [8, 64], strides = [1, 1]} : vector<32x64xf32> to vector<8x64xf32>
    %dot_general3A_276 = arith.constant dense<0.000000e+00> : vector<8x64xf32>
    %dot_general3A_277 = tpu.matmul %slice3A_275, %dot_general3A_112, %dot_general3A_276 {dimension_numbers = #tpu.dot_dimension_numbers<[1], [1], [0], [0], [0, 0, 1, 0], [], []>, precision = #tpu.contract_precision<fp32>, transpose_lhs_hint = false} : vector<8x64xf32>, vector<64x64xf32>, vector<8x64xf32> -> vector<8x64xf32>
    %add3A_278 = arith.addf %add3A_274, %dot_general3A_277 : vector<8x64xf32>
    %slice3A_279 = vector.extract_strided_slice %get3A_1 {offsets = [144, 0], sizes = [16, 128], strides = [1, 1]} : vector<160x128xf32> to vector<16x128xf32>
    %slice3A_280 = vector.extract_strided_slice %slice3A_279 {offsets = [0, 0], sizes = [16, 64], strides = [1, 1]} : vector<16x128xf32> to vector<16x64xf32>
    %slice3A_281 = vector.extract_strided_slice %slice3A_279 {offsets = [0, 64], sizes = [16, 64], strides = [1, 1]} : vector<16x128xf32> to vector<16x64xf32>
    %concatenate3A_282 = tpu.concatenate %slice3A_280, %slice3A_281 in 0 : vector<16x64xf32>, vector<16x64xf32> -> vector<32x64xf32>
    %dot_general3A_283 = arith.constant dense<0.000000e+00> : vector<32x64xf32>
    %dot_general3A_284 = tpu.matmul %concatenate3A_282, %convert_element_type3A_78, %dot_general3A_283 {dimension_numbers = #tpu.dot_dimension_numbers<[1], [0], [0], [1], [0, 0, 1, 1], [], []>, precision = #tpu.contract_precision<fp32>, transpose_lhs_hint = false} : vector<32x64xf32>, vector<64x64xf32>, vector<32x64xf32> -> vector<32x64xf32>
    %slice3A_285 = vector.extract_strided_slice %dot_general3A_284 {offsets = [0, 0], sizes = [8, 64], strides = [1, 1]} : vector<32x64xf32> to vector<8x64xf32>
    %dot_general3A_286 = arith.constant dense<0.000000e+00> : vector<8x64xf32>
    %dot_general3A_287 = tpu.matmul %slice3A_285, %dot_general3A_90, %dot_general3A_286 {dimension_numbers = #tpu.dot_dimension_numbers<[1], [1], [0], [0], [0, 0, 1, 0], [], []>, precision = #tpu.contract_precision<fp32>, transpose_lhs_hint = false} : vector<8x64xf32>, vector<64x64xf32>, vector<8x64xf32> -> vector<8x64xf32>
    %add3A_288 = arith.addf %add3A_278, %dot_general3A_287 : vector<8x64xf32>
    %slice3A_289 = vector.extract_strided_slice %dot_general3A_284 {offsets = [8, 0], sizes = [8, 64], strides = [1, 1]} : vector<32x64xf32> to vector<8x64xf32>
    %dot_general3A_290 = arith.constant dense<0.000000e+00> : vector<8x64xf32>
    %dot_general3A_291 = tpu.matmul %slice3A_289, %dot_general3A_98, %dot_general3A_290 {dimension_numbers = #tpu.dot_dimension_numbers<[1], [1], [0], [0], [0, 0, 1, 0], [], []>, precision = #tpu.contract_precision<fp32>, transpose_lhs_hint = false} : vector<8x64xf32>, vector<64x64xf32>, vector<8x64xf32> -> vector<8x64xf32>
    %add3A_292 = arith.addf %add3A_288, %dot_general3A_291 : vector<8x64xf32>
    %slice3A_293 = vector.extract_strided_slice %dot_general3A_284 {offsets = [16, 0], sizes = [8, 64], strides = [1, 1]} : vector<32x64xf32> to vector<8x64xf32>
    %dot_general3A_294 = arith.constant dense<0.000000e+00> : vector<8x64xf32>
    %dot_general3A_295 = tpu.matmul %slice3A_293, %dot_general3A_106, %dot_general3A_294 {dimension_numbers = #tpu.dot_dimension_numbers<[1], [1], [0], [0], [0, 0, 1, 0], [], []>, precision = #tpu.contract_precision<fp32>, transpose_lhs_hint = false} : vector<8x64xf32>, vector<64x64xf32>, vector<8x64xf32> -> vector<8x64xf32>
    %add3A_296 = arith.addf %add3A_292, %dot_general3A_295 : vector<8x64xf32>
    %slice3A_297 = vector.extract_strided_slice %dot_general3A_284 {offsets = [24, 0], sizes = [8, 64], strides = [1, 1]} : vector<32x64xf32> to vector<8x64xf32>
    %dot_general3A_298 = arith.constant dense<0.000000e+00> : vector<8x64xf32>
    %dot_general3A_299 = tpu.matmul %slice3A_297, %dot_general3A_114, %dot_general3A_298 {dimension_numbers = #tpu.dot_dimension_numbers<[1], [1], [0], [0], [0, 0, 1, 0], [], []>, precision = #tpu.contract_precision<fp32>, transpose_lhs_hint = false} : vector<8x64xf32>, vector<64x64xf32>, vector<8x64xf32> -> vector<8x64xf32>
    %add3A_300 = arith.addf %add3A_296, %dot_general3A_299 : vector<8x64xf32>
    %add3A_301 = vector.broadcast %get3A_118 : f32 to vector<8x64xf32>
    %add3A_302 = arith.addf %add3A_300, %add3A_301 : vector<8x64xf32>
    %max3A_303 = arith.constant 0.000000e+00 : f32
    %max3A_304 = vector.broadcast %max3A_303 : f32 to vector<8x64xf32>
    %max3A_305 = arith.maximumf %add3A_210, %max3A_304 : vector<8x64xf32>
    %abs3A = math.absf %add3A_210 : vector<8x64xf32>
    %neg3A = arith.constant 0.000000e+00 : f32
    %neg3A_306 = vector.broadcast %neg3A : f32 to vector<8x64xf32>
    %neg3A_307 = arith.subf %neg3A_306, %abs3A : vector<8x64xf32>
    %exp3A = math.exp %neg3A_307 : vector<8x64xf32>
    %log1p3A = math.log1p %exp3A : vector<8x64xf32>
    %add3A_308 = arith.addf %max3A_305, %log1p3A : vector<8x64xf32>
    %max3A_309 = arith.constant 0.000000e+00 : f32
    %max3A_310 = vector.broadcast %max3A_309 : f32 to vector<8x64xf32>
    %max3A_311 = arith.maximumf %add3A_302, %max3A_310 : vector<8x64xf32>
    %abs3A_312 = math.absf %add3A_302 : vector<8x64xf32>
    %neg3A_313 = arith.constant 0.000000e+00 : f32
    %neg3A_314 = vector.broadcast %neg3A_313 : f32 to vector<8x64xf32>
    %neg3A_315 = arith.subf %neg3A_314, %abs3A_312 : vector<8x64xf32>
    %exp3A_316 = math.exp %neg3A_315 : vector<8x64xf32>
    %log1p3A_317 = math.log1p %exp3A_316 : vector<8x64xf32>
    %add3A_318 = arith.addf %max3A_311, %log1p3A_317 : vector<8x64xf32>
    %reduce_sum3A_319 = vector.shape_cast %add3A_308 : vector<8x64xf32> to vector<1x8x64xf32>
    %reduce_sum3A_320 = arith.constant dense<0.000000e+00> : vector<1xf32>
    %reduce_sum3A_321 = vector.multi_reduction <add>, %reduce_sum3A_319, %reduce_sum3A_320 [1, 2] : vector<1x8x64xf32> to vector<1xf32>
    %reduce_sum3A_322 = vector.shape_cast %reduce_sum3A_321 : vector<1xf32> to vector<1x1x1xf32>
    %reduce_sum3A_323 = vector.extract %reduce_sum3A_322[0, 0, 0] : f32 from vector<1x1x1xf32>
    %reduce_sum3A_324 = vector.shape_cast %add3A_318 : vector<8x64xf32> to vector<1x8x64xf32>
    %reduce_sum3A_325 = arith.constant dense<0.000000e+00> : vector<1xf32>
    %reduce_sum3A_326 = vector.multi_reduction <add>, %reduce_sum3A_324, %reduce_sum3A_325 [1, 2] : vector<1x8x64xf32> to vector<1xf32>
    %reduce_sum3A_327 = vector.shape_cast %reduce_sum3A_326 : vector<1xf32> to vector<1x1x1xf32>
    %reduce_sum3A_328 = vector.extract %reduce_sum3A_327[0, 0, 0] : f32 from vector<1x1x1xf32>
    %add3A_329 = arith.addf %reduce_sum3A_323, %reduce_sum3A_328 : f32
    %slice3A_330 = vector.extract_strided_slice %add3A_302 {offsets = [0, 0], sizes = [1, 1], strides = [1, 1]} : vector<8x64xf32> to vector<1x1xf32>
    %squeeze3A = vector.extract %slice3A_330[0, 0] : f32 from vector<1x1xf32>
    %sub3A = arith.subf %add3A_329, %squeeze3A : f32
    %div3A = arith.constant 1.024000e+03 : f32
    %div3A_331 = arith.divf %sub3A, %div3A : f32
    %broadcast_in_dim3A_332 = vector.broadcast %div3A_331 : f32 to vector<1x1xf32>
    %swap3A = arith.constant 0 : index
    %swap3A_333 = arith.constant 0 : index
    %swap3A_334 = vector.load %arg12[%swap3A, %swap3A_333] : memref<1x1xf32, #tpu.memory_space<vmem>>, vector<1x1xf32>
    tpu.vector_store %arg12[%swap3A, %swap3A_333], %broadcast_in_dim3A_332 {strides = array<i32>} : memref<1x1xf32, #tpu.memory_space<vmem>>, vector<1x1xf32>,
    return
  }
}

</mosaic_0001>

<sc_bundles>
// kernel: kernel.4.cloned.1.call-start
scs
__scs_entry_jumppad:
0x0: {  	(pc) =	sbr.rel $0x88, $3  }
0x1: {  	(tag) =	ssettag $0x0;
	lr =	simm.s32 $0x1  }
0x2: {  	[smem:$0x3F93] =	sst lr;
	_ =	strace $0xD0000000  }
0x3: {  	_ = 	snop  }
0x4: {  	_ = 	snop  }
0x5: {  	_ = 	snop  }
0x6: {  	_ = 	snop  }
0x7: {  	_ = 	snop  }
__scs_overlays_trampoline_lowered:
0x8: {  	[smem:$0x3FA2] =	sst s0  }
0x9: {  	[smem:$0x3FA3] =	sst s1  }
0xa: {  	[smem:$0x3FA4] =	sst s2  }
0xb: {  	[smem:$0x3FA5] =	sst s3  }
0xc: {  	[smem:$0x3FA6] =	sst s4  }
0xd: {  	[smem:$0x3FA7] =	sst s5  }
0xe: {  	[smem:$0x3FA8] =	sst s6  }
0xf: {  	[smem:$0x3FA9] =	sst s7  }
0x10: {  	[smem:$0x3FAA] =	sst s8  }
0x11: {  	[smem:$0x3FAB] =	sst s9;
	s0 =	simm.s32 @!p0 $0x0  }
0x12: {  	s1 =	sld [smem:$0x3F91];
	s0 =	simm.s32 @p0 $0x1  }
0x13: {  	[smem:$0x3FAC] =	sst s0;
	s0 =	simm.s32 @!p1 $0x0  }
0x14: {  	s2 =	sld [smem:$0x3F90];
	s0 =	simm.s32 @p1 $0x1  }
0x15: {  	[smem:$0x3FAD] =	sst s0;
	s0 =	simm.s32 @!p2 $0x0  }
0x16: {  	s3 =	sld [smem:$0x3FDB];
	s0 =	simm.s32 @p2 $0x1  }
0x17: {  	s4 =	simm.s32 $0x1BF5;
	[smem:$0x3FAF] =	sst s0  }
0x18: {  	s0 =	sld [smem:$0x3F92];
	_ =	swait.ge [sflag:s4], $0x0  }
0x19: {  	s7 =	sld [smem:$0x3F93]  }
0x1a: {  	s8 =	sadd.s32 $0xFFFFE003, lr  }
0x1b: {  	s9 =	sadd.s32 $0xFFFFFEF7, lr;
	s5 =	simm.s32 $0xFFFFFFFF;
	p2 =	slt.u32 s8, $0xFFFFF086  }
0x1c: {  	p1 =	slt.u32 s9, $0xF7A;
	s5 =	simm.s32 @!p2 $0x0  }
0x1d: {  	s5 =	simm.s32 @p1 $0x1;
	p0 =	seq.s32 s7, s2  }
0x1e: {  	s7 =	smul.u32 @!p0 $0xF7A, s2;
	p2 =	seq.s32 @!p0 s5, $0x0  }
0x1f: {  	s9 =	smul.u32 $0xF7A, s1;
	s8 =	simm.s32 @!p0 $0x1BF5;
	p2 =	por !p2, p0  }
0x20: {  	[sflag:s8] =	ssyncset.s32 @!p0 $0xFFFFF086;
	s6 =	sadd.s32 @!p0 s3, s7;
	s7 =	simm.s32 @!p0 $0x108  }
0x21: {  	s3 =	sadd.s32 s3, s9;
	s6 =	sadd.s32 @!p0 $0x88, s6;
	s7 =	simm.s32 @p2 $0x1082  }
0x22: {  	[simem:s7], [sflag:s8] =	dma.local @!p0 [hbm:s6], $0xF7A  }
0x23: {  	s9 =	sor.u32 $0xD0000000, s2;
	s6 =	simm.s32 $0x108;
	_ =	swait.ge @!p0 [sflag:s8], $0x0  }
0x24: {  	s3 =	sadd.s32 $0x88, s3;
	s6 =	simm.s32 @!p1 $0x1082;
	[sflag:s4] =	ssyncset.s32 $0xFFFFF086  }
0x25: {  	[simem:s6], [sflag:s4] =	dma.local [hbm:s3], $0xF7A  }
0x26: {  	[smem:$0x3F93] =	sst s1;
	(tag) =	ssettag s2;
	_ =	strace s9  }
0x27: {  	s1 =	sld [smem:$0x3FA3]  }
0x28: {  	s2 =	sld [smem:$0x3FA4]  }
0x29: {  	s4 =	sld [smem:$0x3FA6]  }
0x2a: {  	p0 =	seq.s32 s5, $0x0;
	s5 =	sld [smem:$0x3FA7]  }
0x2b: {  	s6 =	sld [smem:$0x3FA8]  }
0x2c: {  	s7 =	sld [smem:$0x3FA9]  }
0x2d: {  	s3 =	simm.s32 $0x108;
	s8 =	sld [smem:$0x3FAA]  }
0x2e: {  	s3 =	simm.s32 @!p0 $0x1082;
	s9 =	sld [smem:$0x3FAB]  }
0x2f: {  	lr =	sadd.s32 s0, s3;
	s0 =	sld [smem:$0x3FA2]  }
0x30: {  	s3 =	sld [smem:$0x3FA5]  }
0x31: {  	[smem:$0x3FAE] =	sst s10  }
0x32: {  	s10 =	sld [smem:$0x3FAC];
	_ =	sdelay $0x3  }
0x33: {  	p0 =	seq.s32 s10, $0x1;
	s10 =	sld [smem:$0x3FAE];
	_ =	sdelay $0x3  }
0x34: {  	[smem:$0x3FAE] =	sst s10  }
0x35: {  	s10 =	sld [smem:$0x3FAD];
	_ =	sdelay $0x3  }
0x36: {  	p1 =	seq.s32 s10, $0x1;
	s10 =	sld [smem:$0x3FAE];
	_ =	sdelay $0x3  }
0x37: {  	[smem:$0x3FAE] =	sst s10  }
0x38: {  	s10 =	sld [smem:$0x3FAF]  }
0x39: {  	_ = 	snop;
	(pc) =	sbr.ind lr, $3  }
0x3a: {  	_ = 	snop  }
0x3b: {  	_ = 	snop  }
0x3c: {  	p2 =	seq.s32 s10, $0x1;
	s10 =	sld [smem:$0x3FAE]  }
0x3d: {  	_ =	shalt  }
0x3e: {  	_ =	shalt  }
0x3f: {  	_ =	shalt  }
0x40: {  	_ =	shalt  }
0x41: {  	_ =	shalt  }
0x42: {  	_ =	shalt  }
0x43: {  	_ =	shalt  }
0x44: {  	_ =	shalt  }
0x45: {  	_ =	shalt  }
0x46: {  	_ =	shalt  }
0x47: {  	_ =	shalt  }
0x48: {  	_ =	shalt  }
0x49: {  	_ =	shalt  }
0x4a: {  	_ =	shalt  }
0x4b: {  	_ =	shalt  }
0x4c: {  	_ =	shalt  }
0x4d: {  	_ =	shalt  }
0x4e: {  	_ =	shalt  }
0x4f: {  	_ =	shalt  }
0x50: {  	_ =	shalt  }
0x51: {  	_ =	shalt  }
0x52: {  	_ =	shalt  }
0x53: {  	_ =	shalt  }
0x54: {  	_ =	shalt  }
0x55: {  	_ =	shalt  }
0x56: {  	_ =	shalt  }
0x57: {  	_ =	shalt  }
0x58: {  	_ =	shalt  }
0x59: {  	_ =	shalt  }
0x5a: {  	_ =	shalt  }
0x5b: {  	_ =	shalt  }
0x5c: {  	_ =	shalt  }
0x5d: {  	_ =	shalt  }
0x5e: {  	_ =	shalt  }
0x5f: {  	_ =	shalt  }
0x60: {  	_ =	shalt  }
0x61: {  	_ =	shalt  }
0x62: {  	_ =	shalt  }
0x63: {  	_ =	shalt  }
0x64: {  	_ =	shalt  }
0x65: {  	_ =	shalt  }
0x66: {  	_ =	shalt  }
0x67: {  	_ =	shalt  }
0x68: {  	_ =	shalt  }
0x69: {  	_ =	shalt  }
0x6a: {  	_ =	shalt  }
0x6b: {  	_ =	shalt  }
0x6c: {  	_ =	shalt  }
0x6d: {  	_ =	shalt  }
0x6e: {  	_ =	shalt  }
0x6f: {  	_ =	shalt  }
0x70: {  	_ =	shalt  }
0x71: {  	_ =	shalt  }
0x72: {  	_ =	shalt  }
0x73: {  	_ =	shalt  }
0x74: {  	_ =	shalt  }
0x75: {  	_ =	shalt  }
0x76: {  	_ =	shalt  }
0x77: {  	_ =	shalt  }
0x78: {  	_ =	shalt  }
0x79: {  	_ =	shalt  }
0x7a: {  	_ =	shalt  }
0x7b: {  	_ =	shalt  }
0x7c: {  	_ =	shalt  }
0x7d: {  	_ =	shalt  }
0x7e: {  	_ =	shalt  }
0x7f: {  	_ =	shalt  }
0x80: {  	_ =	shalt  }
0x81: {  	_ =	shalt  }
0x82: {  	_ =	shalt  }
0x83: {  	_ =	shalt  }
0x84: {  	_ =	shalt  }
0x85: {  	_ =	shalt  }
0x86: {  	_ =	shalt  }
0x87: {  	_ =	shalt  }
.Lfunc_end0:
.L_simem_size_0:
called_computation_lowered:
.L_overlay_start_0:
0x88: {  	s0 =	sld [smem:$0x3FD9]  }
0x89: {  	s1 =	sld [smem:$0x3FFE];
	_ =	sdelay $0x3  }
0x8a: {  	s0 =	sadd.s32 s1, s0  }
0x8b: {  	[smem:$0x3FBA] =	sst s0  }
0x8c: {  	_ = 	snop  }
0x8d: {  	s0 =	sld [smem:$0x3FD0];
	(tm) =	ssettm $0x1  }
0x8e: {  	s16 =	sld [smem:$0x3FFB];
	_ =	sdelay $0x3  }
0x8f: {  	_ =	strace s16  }
0x90: {  	s1 =	sld [smem:$0x3FFC];
	_ =	sdelay $0x3  }
0x91: {  	_ =	strace s1  }
0x92: {  	s1 =	sld [smem:$0x3FFD];
	_ =	sdelay $0x3  }
0x93: {  	_ =	strace s1  }
0x94: {  	_ =	strace $0x8FFFFFFF  }
0x95: {  	s17 =	sld [smem:$0x3FDB];
	_ =	sdelay $0x1  }
0x96: {  	s2 =	simm.s32 $_scs_section_size  }
0x97: {  	s3 =	simm.s32 $_size__tile_overlayer_lowered;
	s4 =	simm.s32 $_tile_overlayer_lowered  }
0x98: {  	s20 =	simm.s32 $0x1BFF;
	s19 =	sshll.u32 s4, $0x1;
	s1 =	sadd.s32 s2, s17  }
0x99: {  	s5 =	simm.s32 $0x0;
	s18 =	sshll.u32 s3, $0x1;
	s3 =	sadd.s32 s19, s1  }
0x9a: {  	[timem:s5], [sflag:s20] =	dma.local [hbm:s3], s18  }
0x9b: {  	_ =	swait.ge [sflag:s20], s18  }
0x9c: {  	s2 =	ssub.s32 $0x0, s18;
	[sflag:s20] =	ssyncset.done $0x0  }
0x9d: {  	[sflag:s20] =	ssyncadd.s32 s2;
	_ =	sdelay $0x1  }
0x9e: {  	s21 =	simm.s32 $0x1B8B  }
0x9f: {  	_ =	swait.ge [sflag:s21], $0x1  }
0xa0: {  	[sflag:s21] =	ssyncset.done $0x0  }
0xa1: {  	s23 =	simm.s32 $0x1B8E;
	s22 =	sld [smem:$0x3FFE];
	[sflag:s21] =	ssyncadd.s32 $0xFFFFFFFF  }
0xa2: {  	s24 =	simm.s32 $execute0_lowered;
	[smem:$0x3FD2] =	sst s23  }
0xa3: {  	s3 =	sshll.u32 s24, $0x1;
	_ =	strace $0x80000046;
	[dreg:$0x1] =	wrdreg $0xFFFFFFFF  }
0xa4: {  	s25 =	simm.s32 $_size_execute0_lowered;
	s1 =	sadd.s32 s1, s3;
	[dreg:$0x0] =	wrdreg $0x0  }
0xa5: {  	s3 =	sshll.u32 s25, $0x1;
	[dreg:$0x2] =	wrdreg s1  }
0xa6: {  	[dreg:$0x3] =	wrdreg s3  }
0xa7: {  	[dreg:$0x4] =	wrdreg $0xC0  }
0xa8: {  	_ =	task [dreg:s5], $0x5FFFF  }
0xa9: {  	[dreg:$0x1] =	wrdreg $0xFFFFFFFF  }
0xaa: {  	[dreg:$0x0] =	wrdreg $0x60  }
0xab: {  	[dreg:$0x2] =	wrdreg s22  }
0xac: {  	[dreg:$0x3] =	wrdreg s0  }
0xad: {  	[dreg:$0x4] =	wrdreg $0x4800  }
0xae: {  	[dreg:$0x5] =	wrdreg $0x9  }
0xaf: {  	_ =	task.clear_ibuf [dreg:s5], $0x6FFFF;
	_ =	strace $0x90000046  }
0xb0: {  	s26 =	simm.s32 $0x9;
	_ =	strace $0x80000048  }
0xb1: {  	_ =	swait.ge [sflag:s26], $0x1  }
0xb2: {  	[sflag:s26] =	ssyncadd.s32 $0xFFFFFFFF  }
0xb3: {  	_ =	strace $0x90000048  }
0xb4: {  	_ =	sfence  }
0xb5: {  	s28 =	sld [smem:$0x0];
	_ =	sdelay $0x1  }
0xb6: {  	s29 =	srdreg.scid  }
0xb7: {  	s30 =	sshll.u32 s29, $0xD;
	s31 =	sshrl.u32 s29, $0x2  }
0xb8: {  	s2 =	sand.u32 $0x4000, s30;
	s1 =	sand.u32 $0x1, s29;
	s0 =	sadd.s32 s31, s28  }
0xb9: {  	s1 =	sor.u32 s2, s1;
	s0 =	sshll.u32 s0, $0x11  }
0xba: {  	s0 =	sor.u32 s0, s1  }
0xbb: {  	s0 =	sadd.s32 $0x8F2B, s0  }
0xbc: {  	[sflag:s0] =	ssyncadd.remote.s32 $0x1  }
0xbd: {  	_ =	sfence.sel $0xFFFF  }
0xbe: {  	[dreg:$0x0] =	wrdreg $0xFFFFFFFF;
	(pc) =	sbr.abs _section_cstart, $3  }
0xbf: {  	[dreg:$0x1] =	wrdreg $0xFFFFFFFF  }
0xc0: {  	_ =	task.clear_ibuf [dreg:s5], $0x2FFFF;
	_ =	strace $0x9FFFFFFF  }
0xc1: {  	(tm) =	ssettm $0x7FFFFFFF  }
tec
execute0_lowered:
.L_overlay_start_1:
0x0: {  	(tag) =	ssettag $0x1  }
0x1: {  	s6 =	rddreg [dreg:$0x0]  }
0x2: {  	s8 =	rddreg [dreg:$0x1]  }
0x3: {  	s0 =	stileid.u32;
	s2 =	rddreg [dreg:$0x2];
	s9 =	simm.s32 $0x0  }
0x4: {  	s4 =	smul.u32 $0x500, s0;
	[smem:$0x7FF] =	sst s9  }
0x5: {  	s1 =	rddreg [dreg:$0x3];
	s3 =	sshll.u32 s0, $0x4;
	_ =	strace $0x80000047  }
0x6: {  	s7 =	sadd.s32 s3, s6;
	s5 =	sshrl.u32 s4, $0x3;
	s23 =	sadd.s32 s4, s2  }
0x7: {  	s4 =	sshll.u32 s0, $0x6;
	s12 =	sadd.s32 $0x1C00, s7;
	s3 =	sadd.s32 s5, s6  }
0x8: {  	s11 =	sor.u32 $0x1C01, s4;
	s5 =	sshrl.u32 s23, $0x3;
	s10 =	sadd.s32 $0x2600, s3  }
0x9: {  	[spmem:s5], [sflag:s11] =	dma.local [hbm:s10], $0xA0  }
0xa: {  	[tilespmem:s9], [sflag:$0x2] =	stream.linear.gather [hbm4b:s12+s9], $0x80, $0x38;
	[tilespmem:$0x980] =	vst v63  }
0xb: {  	s26 =	simm.s32 $0x80;
	s24 =	sshll.u32 s0, $0x2;
	s25 =	sadd.s32 $0x1A00, s7  }
0xc: {  	[tilespmem:s26], [sflag:$0x3] =	stream.linear.gather [hbm4b:s25+s9], $0x80, $0x38;
	[tilespmem:$0x980] =	vst v63  }
0xd: {  	s10 =	sadd.s32 s24, s6;
	s6 =	simm.s32 $0x400  }
0xe: {  	[tilespmem:s6], [sflag:$0x4] =	stream.linear.gather [hbm4b:s8+s9], $0x80, $0x38;
	[tilespmem:$0x980] =	vst v63  }
0xf: {  	s29 =	simm.s32 $0x100;
	s28 =	sadd.s32 $0x2000, s10  }
0x10: {  	[tilespmem:s29], [sflag:$0x5] =	stream.linear.gather [hbm4b:s28+s9], $0x20, $0x38;
	[tilespmem:$0x980] =	vst v63  }
0x11: {  	s31 =	simm.s32 $0x180;
	s30 =	sadd.s32 $0x1E00, s10  }
0x12: {  	[tilespmem:s31], [sflag:$0x6] =	stream.linear.gather [hbm4b:s30+s9], $0x20, $0x38;
	[tilespmem:$0x980] =	vst v63  }
0x13: {  	s11 =	sadd.s32 $0x2400, s10;
	s12 =	simm.s32 $0x200  }
0x14: {  	[tilespmem:s12], [sflag:$0x7] =	stream.linear.gather [hbm4b:s11+s9], $0x20, $0x38;
	[tilespmem:$0x980] =	vst v63  }
0x15: {  	s14 =	simm.s32 $0x280;
	s15 =	simm.s32 $0x2;
	s13 =	sadd.s32 $0x2200, s10  }
0x16: {  	[tilespmem:s14], [sflag:$0x8] =	stream.linear.gather [hbm4b:s13+s9], $0x20, $0x38;
	[tilespmem:$0x980] =	vst v63  }
0x17: {  	_ =	swait.ge [sflag:s15], $0x80  }
0x18: {  	[sflag:s15] =	ssyncset.done $0x0  }
0x19: {  	s16 =	simm.s32 $0x3;
	[sflag:s15] =	ssyncadd.s32 $0xFFFFFF80  }
0x1a: {  	_ =	swait.ge [sflag:s16], $0x80  }
0x1b: {  	[sflag:s16] =	ssyncset.done $0x0  }
0x1c: {  	[sflag:s16] =	ssyncadd.s32 $0xFFFFFF80  }
0x1d: {  	v0 =	vld [tilespmem:$0x80]  }
0x1e: {  	v1 =	vld [tilespmem:$0x90]  }
0x1f: {  	v4 =	vld [tilespmem:$0xA0]  }
0x20: {  	v6 =	vld [tilespmem:$0xB0]  }
0x21: {  	v22 =	vld [tilespmem:$0xC0]  }
0x22: {  	v24 =	vld [tilespmem:$0xD0]  }
0x23: {  	v29 =	vld [tilespmem:$0xE0]  }
0x24: {  	v31 =	vld [tilespmem:$0xF0]  }
0x25: {  	v5 =	vshll.u32 v0, $0x7;
	v0 =	vshll.u32 v0, $0x1  }
0x26: {  	v2 =	vld [tilespmem:$0x0];
	v7 =	vshll.u32 v1, $0x1;
	v1 =	vshll.u32 v1, $0x7;
	v23 =	vshll.u32 v4, $0x7  }
0x27: {  	v3 =	vld [tilespmem:$0x10];
	v4 =	vshll.u32 v4, $0x1;
	v9 =	vshll.u32 v6, $0x1;
	v6 =	vshll.u32 v6, $0x7  }
0x28: {  	v8 =	vld [tilespmem:$0x20];
	v30 =	vshll.u32 v22, $0x7;
	v11 =	vshll.u32 v24, $0x1;
	v33 =	vshll.u32 v24, $0x7  }
0x29: {  	v21 =	vld [tilespmem:$0x30];
	v37 =	vshll.u32 v29, $0x7;
	v38 =	vshll.u32 v29, $0x1;
	v39 =	vshll.u32 v31, $0x1  }
0x2a: {  	v41 =	vshll.u32 v31, $0x7;
	v5 =	vand.u32 $0xF80, v5;
	v0 =	vand.u32 $0xFFFFFFC0, v0  }
0x2b: {  	v26 =	vld [tilespmem:$0x50];
	v20 =	vand.u32 $0xFFFFFFC0, v7;
	v1 =	vand.u32 $0xF80, v1;
	v4 =	vand.u32 $0xFFFFFFC0, v4  }
0x2c: {  	v10 =	vld [tilespmem:$0x40];
	v25 =	vand.u32 $0xFFFFFFC0, v9;
	v27 =	vand.u32 $0xF80, v6;
	v6 =	vand.u32 $0xF80, v30  }
0x2d: {  	v34 =	vand.u32 $0xFFFFFFC0, v11;
	v0 =	vadd.s32 v2, v0;
	v2 =	vadd.s32 v3, v20  }
0x2e: {  	v12 =	vld [tilespmem:$0x60];
	v4 =	vadd.s32 v8, v4;
	v28 =	vadd.s32 v21, v25;
	v0 =	vadd.s32 v5, v0  }
0x2f: {  	v35 =	vld [tilespmem:$0x70];
	v3 =	vshll.u32 v22, $0x1;
	v1 =	vadd.s32 v1, v2;
	v2 =	vand.u32 $0xF80, v23;
	[tilespmem:$0x300] =	vst v0  }
0x30: {  	v36 =	vadd.s32 v26, v34;
	v3 =	vand.u32 $0xFFFFFFC0, v3;
	v2 =	vadd.s32 v2, v4;
	[tilespmem:$0x310] =	vst v1  }
0x31: {  	v4 =	vadd.s32 v27, v28;
	v32 =	vadd.s32 v10, v3;
	v3 =	vand.u32 $0xF80, v33;
	[tilespmem:$0x320] =	vst v2  }
0x32: {  	v0 =	vadd.s32 v6, v32;
	v1 =	vadd.s32 v3, v36;
	[tilespmem:$0x330] =	vst v4;
	v3 =	vand.u32 $0xFFFFFFC0, v38  }
0x33: {  	v2 =	vand.u32 $0xF80, v37;
	v4 =	vand.u32 $0xFFFFFFC0, v39;
	[tilespmem:$0x340] =	vst v0;
	v40 =	vadd.s32 v12, v3  }
0x34: {  	v42 =	vand.u32 $0xF80, v41;
	[tilespmem:$0x350] =	vst v1;
	v43 =	vadd.s32 v35, v4;
	v0 =	vadd.s32 v2, v40  }
0x35: {  	v44 =	vadd.s32 v42, v43;
	[tilespmem:$0x360] =	vst v0  }
0x36: {  	s17 =	simm.s32 $0x5;
	[tilespmem:$0x370] =	vst v44  }
0x37: {  	_ =	swait.ge [sflag:s17], $0x20  }
0x38: {  	[sflag:s17] =	ssyncset.done $0x0  }
0x39: {  	s18 =	simm.s32 $0x6;
	[sflag:s17] =	ssyncadd.s32 $0xFFFFFFE0  }
0x3a: {  	_ =	swait.ge [sflag:s18], $0x20  }
0x3b: {  	[sflag:s18] =	ssyncset.done $0x0  }
0x3c: {  	s19 =	simm.s32 $0x7;
	[sflag:s18] =	ssyncadd.s32 $0xFFFFFFE0  }
0x3d: {  	_ =	swait.ge [sflag:s19], $0x20  }
0x3e: {  	[sflag:s19] =	ssyncset.done $0x0  }
0x3f: {  	s20 =	simm.s32 $0x8;
	[sflag:s19] =	ssyncadd.s32 $0xFFFFFFE0  }
0x40: {  	_ =	swait.ge [sflag:s20], $0x20  }
0x41: {  	[sflag:s20] =	ssyncset.done $0x0  }
0x42: {  	[sflag:s20] =	ssyncadd.s32 $0xFFFFFFE0  }
0x43: {  	v45 =	vld [tilespmem:$0x100]  }
0x44: {  	v46 =	vld [tilespmem:$0x180]  }
0x45: {  	v47 =	vld [tilespmem:$0x200]  }
0x46: {  	v49 =	vld [tilespmem:$0x280]  }
0x47: {  	v51 =	vld [tilespmem:$0x110]  }
0x48: {  	s21 =	sshrl.u32 s0, $0x1;
	v52 =	vld [tilespmem:$0x190]  }
0x49: {  	v56 =	vlaneseq.u32;
	v48 =	vmov s21;
	v55 =	vld [tilespmem:$0x210]  }
0x4a: {  	v60 =	vor.u32 $0x1000, v56;
	v3 =	vshll.u32 v48, $0x7  }
0x4b: {  	v3 =	vbroadcast v3, $0x0;
	v50 =	vshll.u32 v45, $0xA;
	v1 =	vshll.u32 v46, $0xB  }
0x4c: {  	v0 =	vshll.u32 v45, $0x5;
	v4 =	vshll.u32 v49, $0xB;
	v53 =	vshll.u32 v47, $0xA  }
0x4d: {  	s22 =	sshll.u32 s0, $0x5;
	v2 =	vshll.u32 v47, $0x5;
	v58 =	vshll.u32 v52, $0xB;
	v59 =	vshll.u32 v51, $0xA  }
0x4e: {  	s8 =	sand.u32 $0x20, s22;
	v6 =	vshll.u32 v51, $0x5;
	v61 =	vshll.u32 v55, $0xA;
	v5 =	vand.u32 $0x400, v50  }
0x4f: {  	v57 =	vld [tilespmem:$0x290];
	v0 =	vand.u32 $0xFFFFFFC0, v0;
	v1 =	vor.u32 s8, v1;
	v8 =	vand.u32 $0x400, v53  }
0x50: {  	v2 =	vand.u32 $0xFFFFFFC0, v2;
	v4 =	vor.u32 s8, v4;
	v7 =	vand.u32 $0x400, v59  }
0x51: {  	v6 =	vand.u32 $0xFFFFFFC0, v6;
	v5 =	vor.u32 v3, v5;
	v0 =	vadd.s32 v0, v1  }
0x52: {  	v54 =	vor.u32 v3, v8;
	v2 =	vadd.s32 v2, v4;
	v7 =	vor.u32 v3, v7  }
0x53: {  	s8 =	sor.u32 $0x10, s8;
	v8 =	vor.u32 $0x3000, v56;
	v4 =	vshll.u32 v55, $0x5;
	v0 =	vadd.s32 v5, v0  }
0x54: {  	v1 =	vadd.s32 v54, v2;
	v5 =	vor.u32 s8, v58;
	v2 =	vshll.u32 v57, $0xB  }
0x55: {  	v4 =	vand.u32 $0xFFFFFFC0, v4;
	v5 =	vadd.s32 v6, v5;
	v0 =	vadd.s32 v60, v0  }
0x56: {  	v2 =	vor.u32 s8, v2;
	v5 =	vadd.s32 v7, v5;
	v7 =	vand.u32 $0x400, v61  }
0x57: {  	v1 =	vadd.s32 v8, v1;
	[tilespmem:$0x380] =	vst v0;
	v2 =	vadd.s32 v4, v2;
	v62 =	vor.u32 v3, v7  }
0x58: {  	[tilespmem:$0x3A0] =	vst v1;
	v63 =	vadd.s32 v60, v5;
	v0 =	vadd.s32 v62, v2  }
0x59: {  	[tilespmem:$0x390] =	vst v63;
	v0 =	vadd.s32 v8, v0  }
0x5a: {  	s23 =	simm.s32 $0x1;
	[tilespmem:$0x3B0] =	vst v0  }
0x5b: {  	_ =	swait.ge [sflag:s23], $0xA0  }
0x5c: {  	[sflag:s23] =	ssyncset.done $0x0  }
0x5d: {  	s24 =	simm.s32 $0x4;
	[sflag:s23] =	ssyncadd.s32 $0xFFFFFF60  }
0x5e: {  	_ =	swait.ge [sflag:s24], $0x80  }
0x5f: {  	[sflag:s24] =	ssyncset.done $0x0  }
0x60: {  	[sflag:s24] =	ssyncadd.s32 $0xFFFFFF80  }
0x61: {  	s25 =	simm.s32 $0x300;
	[bflag:$0x0] =	sbarrier.arrive $0xFFFF  }
0x62: {  	[spmem:s2] =	stream.indirect.scatter.add.f32 [tilespmem:s6], [sflag:$0x9], $0x1, s25, s26, $0xb8;
	[tilespmem:$0x980] =	vst v63  }
0x63: {  	s26 =	simm.s32 $0x9  }
0x64: {  	_ =	swait.ge [sflag:s26], $0x80  }
0x65: {  	[sflag:s26] =	ssyncset.done $0x0  }
0x66: {  	s28 =	simm.s32 $0x40;
	s29 =	simm.s32 $0x380;
	[sflag:s26] =	ssyncadd.s32 $0xFFFFFF80  }
0x67: {  	[spmem:s2] =	stream.indirect.scatter.add.f32 [tilespmem:s6], [sflag:$0x9], $0x1, s29, s28, $0xb8;
	[tilespmem:$0x980] =	vst v63  }
0x68: {  	_ =	swait.ge [sflag:s26], $0x40  }
0x69: {  	[sflag:s26] =	ssyncset.done $0x0  }
0x6a: {  	[sflag:s26] =	ssyncadd.s32 $0xFFFFFFC0  }
0x6b: {  	s30 =	sadd.s32 $0x3000, s3;
	s31 =	sor.u32 $0x1C09, s4;
	[bflag:$0x0] =	sbarrier.arrive $0xFFFF  }
0x6c: {  	[hbm:s30], [sflag:s31] =	dma.local [spmem:s5], $0xA0  }
0x6d: {  	_ =	swait.ge [sflag:s26], $0xA0  }
0x6e: {  	[sflag:s26] =	ssyncset.done $0x0  }
0x6f: {  	[sflag:s26] =	ssyncadd.s32 $0xFFFFFF60  }
0x70: {  	_ =	sfence.sel $0x180000  }
0x71: {  	[bflag:$0x0] =	sbarrier.arrive $0xFFFF  }
0x72: {  	p0 =	sne.s32 s0, $0x0;
	_ =	strace $0x90000047  }
0x73: {  	s0 =	sadd.s32 @!p0 $0x100000, s1;
	[bflag:$0x2] =	sbarrier.arrive $0xFFFF  }
0x74: {  	[sflag:s0] =	ssyncadd.tile.s32 @!p0 $0x1;
	_ =	shalt  }
.Lfunc_end2:
_tile_overlayer_lowered:
.L_overlay_start_2:
0x75: {  	(tag) =	ssettag $0x2  }
0x76: {  	s0 =	rddreg [dreg:$0x0];
	s2 =	stileid.u32  }
0x77: {  	s1 =	rddreg [dreg:$0x1];
	p0 =	sne.s32 s2, $0x0  }
0x78: {  	s3 =	rddreg [dreg:$0x2];
	[bflag:$0x3] =	sbarrier.arrive $0xFFFF;
	s2 =	simm.s32 @!p0 $0x1C09  }
0x79: {  	[timem:s3], [sflag:s2] =	dma.local @!p0 [hbm:s0], s1  }
0x7a: {  	s0 =	simm.s32 @!p0 $0x9  }
0x7b: {  	_ =	swait.ge @!p0 [sflag:s0], s1  }
0x7c: {  	s1 =	ssub.s32 @!p0 $0x0, s1;
	[sflag:s0] =	ssyncset.done @!p0 $0x0  }
0x7d: {  	[sflag:s0] =	ssyncadd.s32 @!p0 s1  }
0x7e: {  	[bflag:$0x3] =	sbarrier.arrive $0xFFFF  }
0x7f: {  	_ =	shalt  }

</sc_bundles>
